<compile_context>
chip_gen: v7x
topology: tpu7x:2x2x1
jax: 0.10.2.dev20260603
libtpu: 0.0.44.dev20260713+nightly
codegen_flags: <defaults>
</compile_context>

<pallas_src>
import functools

import jax
import jax.numpy as jnp
from jax import lax
from jax.experimental import pallas as pl
from jax.experimental.pallas import tpu as pltpu
from jax.experimental.pallas import tpu_sc as plsc

K = 1024
D = 256
N = 18432
TILE = 6144
GRID = N // TILE
KC = 512
COMMITMENT_COST = 0.25


def _argmin_tc_body(x_ref, w_ref, idx_ref, dsum_ref, dsum_acc, wsq_acc):
    step = pl.program_id(0)

    @pl.when(step == 0)
    def _init():
        dsum_acc[0] = 0.0
        w0 = w_ref[...]
        wsq_acc[...] = jnp.sum(w0 * w0, axis=1)[None, :]

    x = x_ref[...]
    xsq = jnp.sum(x * x, axis=1, keepdims=True)
    x2 = x + x
    m_run = None
    i_run = None
    for kc in range(K // KC):
        wc = w_ref[pl.ds(kc * KC, KC), :]
        wsqc = wsq_acc[:, pl.ds(kc * KC, KC)]
        s2c = lax.dot_general(x2, wc, (((1,), (1,)), ((), ())),
                              preferred_element_type=jnp.float32)
        dc = (xsq - s2c) + wsqc
        mc = jnp.min(dc, axis=1, keepdims=True)
        iota_f = lax.broadcasted_iota(jnp.int32, (TILE, KC), 1).astype(jnp.float32)
        ic = jnp.min(jnp.where(dc == mc, iota_f, jnp.float32(KC)), axis=1,
                     keepdims=True) + jnp.float32(kc * KC)
        if kc == 0:
            m_run, i_run = mc, ic
        else:
            better = mc < m_run
            i_run = jnp.where(better, ic, i_run)
            m_run = jnp.minimum(m_run, mc)
    idx_ref[...] = i_run[:, 0].astype(jnp.int32)
    dsum_acc[0] += jnp.sum(m_run)

    @pl.when(step == GRID - 1)
    def _fin():
        dsum_ref[0] = dsum_acc[0]


_argmin_tc = pl.pallas_call(
    _argmin_tc_body,
    grid=(GRID,),
    in_specs=[
        pl.BlockSpec((TILE, D), lambda i: (i, 0)),
        pl.BlockSpec((K, D), lambda i: (0, 0)),
    ],
    out_specs=[
        pl.BlockSpec((TILE,), lambda i: (i,)),
        pl.BlockSpec(memory_space=pltpu.SMEM),
    ],
    out_shape=[
        jax.ShapeDtypeStruct((N,), jnp.int32),
        jax.ShapeDtypeStruct((1,), jnp.float32),
    ],
    scratch_shapes=[
        pltpu.SMEM((1,), jnp.float32),
        pltpu.VMEM((1, K), jnp.float32),
    ],
)


def _scalars_tc_body(idx_ref, dsum_ref, scal_ref, counts_acc):
    step = pl.program_id(0)

    @pl.when(step == 0)
    def _init():
        counts_acc[...] = jnp.zeros_like(counts_acc)

    idx = idx_ref[...]
    iota = lax.broadcasted_iota(jnp.int32, (TILE, K), 1)
    onehot = jnp.where(iota == idx[:, None], 1.0, 0.0)
    counts_acc[...] += jnp.sum(onehot, axis=0, keepdims=True)

    @pl.when(step == GRID - 1)
    def _epilogue():
        counts = counts_acc[...]
        p = counts / jnp.float32(N)
        ent = jnp.sum(p * jnp.log(p + 1e-10))
        perplexity = jnp.exp(-ent)
        usage = jnp.sum((counts > 0.0).astype(jnp.float32)) / jnp.float32(K)
        mse = dsum_ref[0] / jnp.float32(N * D)
        scal_ref[0] = mse + COMMITMENT_COST * mse
        scal_ref[1] = mse
        scal_ref[2] = mse
        scal_ref[3] = perplexity
        scal_ref[4] = usage


_scalars_tc = pl.pallas_call(
    _scalars_tc_body,
    grid=(GRID,),
    in_specs=[
        pl.BlockSpec((TILE,), lambda i: (i,)),
        pl.BlockSpec(memory_space=pltpu.SMEM),
    ],
    out_specs=pl.BlockSpec(memory_space=pltpu.SMEM),
    out_shape=jax.ShapeDtypeStruct((8,), jnp.float32),
    scratch_shapes=[
        pltpu.VMEM((1, K), jnp.float32),
    ],
)


_NC, _NS = 2, 16
_NW = _NC * _NS
_BPW = N // _NW
_CHUNK = 96
_NCHUNK = _BPW // _CHUNK
_NBUF = 3


@functools.cache
def _make_gather():
    @functools.partial(
        pl.kernel,
        mesh=plsc.VectorSubcoreMesh(core_axis_name="c", subcore_axis_name="s",
                                    num_cores=_NC, num_subcores=_NS),
        out_type=jax.ShapeDtypeStruct((N, D), jnp.float32),
        scratch_types=[
            pltpu.VMEM((_BPW,), jnp.int32),
        ] + [pltpu.VMEM((_CHUNK, D), jnp.float32)] * _NBUF
          + [pltpu.SemaphoreType.DMA] * (2 * _NBUF),
    )
    def _gather_rows(table_hbm, idx_hbm, out_hbm, idx_v, *bufs):
        rows = bufs[:_NBUF]
        gs = bufs[_NBUF:2 * _NBUF]
        os = bufs[2 * _NBUF:]
        wid = lax.axis_index("s") * _NC + lax.axis_index("c")
        base = wid * _BPW
        pltpu.sync_copy(idx_hbm.at[pl.ds(base, _BPW)], idx_v)
        g = [None] * _NCHUNK
        o = [None] * _NCHUNK
        for c in range(_NCHUNK):
            b = c % _NBUF
            if c >= _NBUF:
                o[c - _NBUF].wait()
            g[c] = pltpu.async_copy(
                table_hbm.at[idx_v.at[pl.ds(c * _CHUNK, _CHUNK)]],
                rows[b], gs[b])
            if c >= 1:
                g[c - 1].wait()
                o[c - 1] = pltpu.async_copy(
                    rows[(c - 1) % _NBUF],
                    out_hbm.at[pl.ds(base + (c - 1) * _CHUNK, _CHUNK)],
                    os[(c - 1) % _NBUF])
        last = _NCHUNK - 1
        g[last].wait()
        o[last] = pltpu.async_copy(
            rows[last % _NBUF], out_hbm.at[pl.ds(base + last * _CHUNK, _CHUNK)],
            os[last % _NBUF])
        for c in range(max(0, _NCHUNK - _NBUF), _NCHUNK):
            o[c].wait()

    return _gather_rows


def kernel(inputs, weight):
    idx, dsum = _argmin_tc(inputs, weight)
    quantized = _make_gather()(weight, idx)
    scal = _scalars_tc(idx, dsum)
    return (quantized, idx, scal[0], scal[1], scal[2], scal[3], scal[4])

# --- scband reference (transcript-rebuilt; emitter-appended) ---
"""Pipeline reference for scband-vector-quantizer-26130581029055 (READ-ONLY COPY).

The authoritative reference and input builder live on the scoring server;
editing this copy changes nothing except your own understanding.
"""

import jax, jax.numpy as jnp
import numpy as np

NUM_EMBEDDINGS = 1024
EMBEDDING_DIM = 256
COMMITMENT_COST = 0.25
N_TOKENS = 18432


def setup_inputs(seed: int = 0) -> dict:
    key = jax.random.key(seed)
    k1, k2 = jax.random.split(key)
    inputs = jax.random.normal(k1, (N_TOKENS, EMBEDDING_DIM), dtype=jnp.float32)
    # nn.Embedding weight initialized uniform(-1/K, 1/K) per the torch module
    weight = jax.random.uniform(
        k2, (NUM_EMBEDDINGS, EMBEDDING_DIM), dtype=jnp.float32,
        minval=-1.0 / NUM_EMBEDDINGS, maxval=1.0 / NUM_EMBEDDINGS)
    return {"inputs": inputs, "weight": weight}


def reference(inputs, weight):
    # squared euclidean distances: ||x||^2 - 2 x W^T + ||w||^2
    distances = (jnp.sum(inputs ** 2, axis=1, keepdims=True)
                 - 2.0 * jnp.matmul(inputs, weight.T)
                 + jnp.sum(weight ** 2, axis=1))
    encoding_indices = jnp.argmin(distances, axis=1)
    encodings = jax.nn.one_hot(encoding_indices, NUM_EMBEDDINGS, dtype=jnp.float32)
    quantized = jnp.matmul(encodings, weight)

    commitment_loss = jnp.mean((jax.lax.stop_gradient(quantized) - inputs) ** 2)
    codebook_loss = jnp.mean((quantized - jax.lax.stop_gradient(inputs)) ** 2)
    loss = codebook_loss + COMMITMENT_COST * commitment_loss

    # straight-through estimator
    quantized_st = inputs + jax.lax.stop_gradient(quantized - inputs)

    avg_probs = jnp.mean(encodings, axis=0)
    perplexity = jnp.exp(-jnp.sum(avg_probs * jnp.log(avg_probs + 1e-10)))
    usage_rate = jnp.mean((jnp.sum(encodings, axis=0) > 0).astype(jnp.float32))

    return (quantized_st, encoding_indices, loss, commitment_loss,
            codebook_loss, perplexity, usage_rate)

if __name__ == "__main__":
    import jax
    _d = setup_inputs()
    print(jax.jit(kernel)(*tuple(_d.values())))

</pallas_src>

<mosaic_0001>
#map = affine_map<(d0, d1) -> (0, 0)>
#map1 = affine_map<(d0, d1) -> (0)>
module attributes {stable_mosaic.version = 14 : i64} {
  func.func @_gather_rows(%arg0: i32, %arg1: i32, %arg2: memref<1024x256xf32, #tpu.memory_space<hbm>>, %arg3: memref<18432xi32, #tpu.memory_space<hbm>>, %arg4: memref<18432x256xf32, #tpu.memory_space<hbm>>, %arg5: memref<576xi32, #tpu.memory_space<vmem>>, %arg6: memref<96x256xf32, #tpu.memory_space<vmem>>, %arg7: memref<96x256xf32, #tpu.memory_space<vmem>>, %arg8: memref<96x256xf32, #tpu.memory_space<vmem>>, %arg9: memref<!tpu.dma_semaphore, #tpu.memory_space<semaphore_mem>>, %arg10: memref<!tpu.dma_semaphore, #tpu.memory_space<semaphore_mem>>, %arg11: memref<!tpu.dma_semaphore, #tpu.memory_space<semaphore_mem>>, %arg12: memref<!tpu.dma_semaphore, #tpu.memory_space<semaphore_mem>>, %arg13: memref<!tpu.dma_semaphore, #tpu.memory_space<semaphore_mem>>, %arg14: memref<!tpu.dma_semaphore, #tpu.memory_space<semaphore_mem>>) attributes {dimension_semantics = [#tpu.dimension_semantics<core_parallel>, #tpu.dimension_semantics<subcore_parallel>], iteration_bounds = array<i64: 2, 16>, scalar_prefetch = 0 : i64, scratch_operands = 10 : i64, tpu.core_type = #tpu.core_type<sc_vector_subcore>, window_params = [{transform_indices = #map}, {transform_indices = #map1}, {transform_indices = #map}]} {
    %mul3A = arith.constant 2 : i32
    %mul3A_0 = arith.muli %arg1, %mul3A : i32
    %add3A = arith.addi %mul3A_0, %arg0 : i32
    %mul3A_1 = arith.constant 576 : i32
    %mul3A_2 = arith.muli %add3A, %mul3A_1 : i32
    "tpu.region"() ({
      %run_scoped3A = tpu.sem_alloc : memref<!tpu.dma_semaphore, #tpu.memory_space<semaphore_mem>>
      %dma_start3A_121 = tpu.memref_slice %arg3[%mul3A_2] : memref<18432xi32, #tpu.memory_space<hbm>> -> memref<576xi32, #tpu.memory_space<hbm>>
      %dma_start3A_122 = tpu.memref_slice %arg3[%mul3A_2] : memref<18432xi32, #tpu.memory_space<hbm>> -> memref<576xi32, #tpu.memory_space<hbm>>
      tpu.enqueue_dma source(%dma_start3A_122 : memref<576xi32, #tpu.memory_space<hbm>>) target(%arg5 : memref<576xi32, #tpu.memory_space<vmem>>) target_semaphore(%run_scoped3A : memref<!tpu.dma_semaphore, #tpu.memory_space<semaphore_mem>>)
      %dma_wait3A_123 = tpu.memref_slice %arg3[%mul3A_2] : memref<18432xi32, #tpu.memory_space<hbm>> -> memref<576xi32, #tpu.memory_space<hbm>>
      %dma_wait3A_124 = tpu.memref_slice %arg3[%mul3A_2] : memref<18432xi32, #tpu.memory_space<hbm>> -> memref<576xi32, #tpu.memory_space<hbm>>
      tpu.wait_dma2 semaphore(%run_scoped3A : memref<!tpu.dma_semaphore, #tpu.memory_space<semaphore_mem>>) src(%dma_wait3A_124 : memref<576xi32, #tpu.memory_space<hbm>>) dst(%arg5 : memref<576xi32, #tpu.memory_space<vmem>>)
      tpu.yield
    }) : () -> ()
    %dma_start3A = arith.constant 0 : i32
    %dma_start3A_3 = tpu.memref_slice %arg5[%dma_start3A] : memref<576xi32, #tpu.memory_space<vmem>> -> memref<96xi32, #tpu.memory_space<vmem>>
    %dma_start3A_4 = arith.constant 0 : i32
    %dma_start3A_5 = arith.constant 0 : i32
    %dma_start3A_6 = tpu.memref_slice %arg2[%dma_start3A_4, %dma_start3A_5] : memref<1024x256xf32, #tpu.memory_space<hbm>> -> memref<1024x256xf32, #tpu.memory_space<hbm>>
    tpu.enqueue_indirect_dma source(%dma_start3A_6 : memref<1024x256xf32, #tpu.memory_space<hbm>>) target(%arg6 : memref<96x256xf32, #tpu.memory_space<vmem>>) offsets(%dma_start3A_3 : memref<96xi32, #tpu.memory_space<vmem>>) semaphore(%arg9 : memref<!tpu.dma_semaphore, #tpu.memory_space<semaphore_mem>>)
    %dma_start3A_7 = arith.constant 96 : i32
    %dma_start3A_8 = tpu.memref_slice %arg5[%dma_start3A_7] : memref<576xi32, #tpu.memory_space<vmem>> -> memref<96xi32, #tpu.memory_space<vmem>>
    %dma_start3A_9 = arith.constant 0 : i32
    %dma_start3A_10 = arith.constant 0 : i32
    %dma_start3A_11 = tpu.memref_slice %arg2[%dma_start3A_9, %dma_start3A_10] : memref<1024x256xf32, #tpu.memory_space<hbm>> -> memref<1024x256xf32, #tpu.memory_space<hbm>>
    tpu.enqueue_indirect_dma source(%dma_start3A_11 : memref<1024x256xf32, #tpu.memory_space<hbm>>) target(%arg7 : memref<96x256xf32, #tpu.memory_space<vmem>>) offsets(%dma_start3A_8 : memref<96xi32, #tpu.memory_space<vmem>>) semaphore(%arg10 : memref<!tpu.dma_semaphore, #tpu.memory_space<semaphore_mem>>)
    %dma_wait3A = arith.constant 0 : i32
    %dma_wait3A_12 = tpu.memref_slice %arg5[%dma_wait3A] : memref<576xi32, #tpu.memory_space<vmem>> -> memref<96xi32, #tpu.memory_space<vmem>>
    %dma_wait3A_13 = arith.constant 0 : i32
    %dma_wait3A_14 = arith.constant 0 : i32
    %dma_wait3A_15 = tpu.memref_slice %arg2[%dma_wait3A_13, %dma_wait3A_14] : memref<1024x256xf32, #tpu.memory_space<hbm>> -> memref<1024x256xf32, #tpu.memory_space<hbm>>
    tpu.wait_indirect_dma semaphore(%arg9 : memref<!tpu.dma_semaphore, #tpu.memory_space<semaphore_mem>>) src(%dma_wait3A_15 : memref<1024x256xf32, #tpu.memory_space<hbm>>) dst(%arg6 : memref<96x256xf32, #tpu.memory_space<vmem>>)
    %add3A_16 = arith.constant 0 : i32
    %add3A_17 = arith.addi %mul3A_2, %add3A_16 : i32
    %dma_start3A_18 = arith.constant 0 : i32
    %dma_start3A_19 = tpu.memref_slice %arg4[%add3A_17, %dma_start3A_18] : memref<18432x256xf32, #tpu.memory_space<hbm>> -> memref<96x256xf32, #tpu.memory_space<hbm>>
    %dma_start3A_20 = arith.constant 0 : i32
    %dma_start3A_21 = tpu.memref_slice %arg4[%add3A_17, %dma_start3A_20] : memref<18432x256xf32, #tpu.memory_space<hbm>> -> memref<96x256xf32, #tpu.memory_space<hbm>>
    tpu.enqueue_dma source(%arg6 : memref<96x256xf32, #tpu.memory_space<vmem>>) target(%dma_start3A_21 : memref<96x256xf32, #tpu.memory_space<hbm>>) target_semaphore(%arg12 : memref<!tpu.dma_semaphore, #tpu.memory_space<semaphore_mem>>)
    %dma_start3A_22 = arith.constant 192 : i32
    %dma_start3A_23 = tpu.memref_slice %arg5[%dma_start3A_22] : memref<576xi32, #tpu.memory_space<vmem>> -> memref<96xi32, #tpu.memory_space<vmem>>
    %dma_start3A_24 = arith.constant 0 : i32
    %dma_start3A_25 = arith.constant 0 : i32
    %dma_start3A_26 = tpu.memref_slice %arg2[%dma_start3A_24, %dma_start3A_25] : memref<1024x256xf32, #tpu.memory_space<hbm>> -> memref<1024x256xf32, #tpu.memory_space<hbm>>
    tpu.enqueue_indirect_dma source(%dma_start3A_26 : memref<1024x256xf32, #tpu.memory_space<hbm>>) target(%arg8 : memref<96x256xf32, #tpu.memory_space<vmem>>) offsets(%dma_start3A_23 : memref<96xi32, #tpu.memory_space<vmem>>) semaphore(%arg11 : memref<!tpu.dma_semaphore, #tpu.memory_space<semaphore_mem>>)
    %dma_wait3A_27 = arith.constant 96 : i32
    %dma_wait3A_28 = tpu.memref_slice %arg5[%dma_wait3A_27] : memref<576xi32, #tpu.memory_space<vmem>> -> memref<96xi32, #tpu.memory_space<vmem>>
    %dma_wait3A_29 = arith.constant 0 : i32
    %dma_wait3A_30 = arith.constant 0 : i32
    %dma_wait3A_31 = tpu.memref_slice %arg2[%dma_wait3A_29, %dma_wait3A_30] : memref<1024x256xf32, #tpu.memory_space<hbm>> -> memref<1024x256xf32, #tpu.memory_space<hbm>>
    tpu.wait_indirect_dma semaphore(%arg10 : memref<!tpu.dma_semaphore, #tpu.memory_space<semaphore_mem>>) src(%dma_wait3A_31 : memref<1024x256xf32, #tpu.memory_space<hbm>>) dst(%arg7 : memref<96x256xf32, #tpu.memory_space<vmem>>)
    %add3A_32 = arith.constant 96 : i32
    %add3A_33 = arith.addi %mul3A_2, %add3A_32 : i32
    %dma_start3A_34 = arith.constant 0 : i32
    %dma_start3A_35 = tpu.memref_slice %arg4[%add3A_33, %dma_start3A_34] : memref<18432x256xf32, #tpu.memory_space<hbm>> -> memref<96x256xf32, #tpu.memory_space<hbm>>
    %dma_start3A_36 = arith.constant 0 : i32
    %dma_start3A_37 = tpu.memref_slice %arg4[%add3A_33, %dma_start3A_36] : memref<18432x256xf32, #tpu.memory_space<hbm>> -> memref<96x256xf32, #tpu.memory_space<hbm>>
    tpu.enqueue_dma source(%arg7 : memref<96x256xf32, #tpu.memory_space<vmem>>) target(%dma_start3A_37 : memref<96x256xf32, #tpu.memory_space<hbm>>) target_semaphore(%arg13 : memref<!tpu.dma_semaphore, #tpu.memory_space<semaphore_mem>>)
    %dma_wait3A_38 = arith.constant 0 : i32
    %dma_wait3A_39 = tpu.memref_slice %arg4[%add3A_17, %dma_wait3A_38] : memref<18432x256xf32, #tpu.memory_space<hbm>> -> memref<96x256xf32, #tpu.memory_space<hbm>>
    %dma_wait3A_40 = arith.constant 0 : i32
    %dma_wait3A_41 = tpu.memref_slice %arg4[%add3A_17, %dma_wait3A_40] : memref<18432x256xf32, #tpu.memory_space<hbm>> -> memref<96x256xf32, #tpu.memory_space<hbm>>
    tpu.wait_dma2 semaphore(%arg12 : memref<!tpu.dma_semaphore, #tpu.memory_space<semaphore_mem>>) src(%arg6 : memref<96x256xf32, #tpu.memory_space<vmem>>) dst(%dma_wait3A_41 : memref<96x256xf32, #tpu.memory_space<hbm>>)
    %dma_start3A_42 = arith.constant 288 : i32
    %dma_start3A_43 = tpu.memref_slice %arg5[%dma_start3A_42] : memref<576xi32, #tpu.memory_space<vmem>> -> memref<96xi32, #tpu.memory_space<vmem>>
    %dma_start3A_44 = arith.constant 0 : i32
    %dma_start3A_45 = arith.constant 0 : i32
    %dma_start3A_46 = tpu.memref_slice %arg2[%dma_start3A_44, %dma_start3A_45] : memref<1024x256xf32, #tpu.memory_space<hbm>> -> memref<1024x256xf32, #tpu.memory_space<hbm>>
    tpu.enqueue_indirect_dma source(%dma_start3A_46 : memref<1024x256xf32, #tpu.memory_space<hbm>>) target(%arg6 : memref<96x256xf32, #tpu.memory_space<vmem>>) offsets(%dma_start3A_43 : memref<96xi32, #tpu.memory_space<vmem>>) semaphore(%arg9 : memref<!tpu.dma_semaphore, #tpu.memory_space<semaphore_mem>>)
    %dma_wait3A_47 = arith.constant 192 : i32
    %dma_wait3A_48 = tpu.memref_slice %arg5[%dma_wait3A_47] : memref<576xi32, #tpu.memory_space<vmem>> -> memref<96xi32, #tpu.memory_space<vmem>>
    %dma_wait3A_49 = arith.constant 0 : i32
    %dma_wait3A_50 = arith.constant 0 : i32
    %dma_wait3A_51 = tpu.memref_slice %arg2[%dma_wait3A_49, %dma_wait3A_50] : memref<1024x256xf32, #tpu.memory_space<hbm>> -> memref<1024x256xf32, #tpu.memory_space<hbm>>
    tpu.wait_indirect_dma semaphore(%arg11 : memref<!tpu.dma_semaphore, #tpu.memory_space<semaphore_mem>>) src(%dma_wait3A_51 : memref<1024x256xf32, #tpu.memory_space<hbm>>) dst(%arg8 : memref<96x256xf32, #tpu.memory_space<vmem>>)
    %add3A_52 = arith.constant 192 : i32
    %add3A_53 = arith.addi %mul3A_2, %add3A_52 : i32
    %dma_start3A_54 = arith.constant 0 : i32
    %dma_start3A_55 = tpu.memref_slice %arg4[%add3A_53, %dma_start3A_54] : memref<18432x256xf32, #tpu.memory_space<hbm>> -> memref<96x256xf32, #tpu.memory_space<hbm>>
    %dma_start3A_56 = arith.constant 0 : i32
    %dma_start3A_57 = tpu.memref_slice %arg4[%add3A_53, %dma_start3A_56] : memref<18432x256xf32, #tpu.memory_space<hbm>> -> memref<96x256xf32, #tpu.memory_space<hbm>>
    tpu.enqueue_dma source(%arg8 : memref<96x256xf32, #tpu.memory_space<vmem>>) target(%dma_start3A_57 : memref<96x256xf32, #tpu.memory_space<hbm>>) target_semaphore(%arg14 : memref<!tpu.dma_semaphore, #tpu.memory_space<semaphore_mem>>)
    %dma_wait3A_58 = arith.constant 0 : i32
    %dma_wait3A_59 = tpu.memref_slice %arg4[%add3A_33, %dma_wait3A_58] : memref<18432x256xf32, #tpu.memory_space<hbm>> -> memref<96x256xf32, #tpu.memory_space<hbm>>
    %dma_wait3A_60 = arith.constant 0 : i32
    %dma_wait3A_61 = tpu.memref_slice %arg4[%add3A_33, %dma_wait3A_60] : memref<18432x256xf32, #tpu.memory_space<hbm>> -> memref<96x256xf32, #tpu.memory_space<hbm>>
    tpu.wait_dma2 semaphore(%arg13 : memref<!tpu.dma_semaphore, #tpu.memory_space<semaphore_mem>>) src(%arg7 : memref<96x256xf32, #tpu.memory_space<vmem>>) dst(%dma_wait3A_61 : memref<96x256xf32, #tpu.memory_space<hbm>>)
    %dma_start3A_62 = arith.constant 384 : i32
    %dma_start3A_63 = tpu.memref_slice %arg5[%dma_start3A_62] : memref<576xi32, #tpu.memory_space<vmem>> -> memref<96xi32, #tpu.memory_space<vmem>>
    %dma_start3A_64 = arith.constant 0 : i32
    %dma_start3A_65 = arith.constant 0 : i32
    %dma_start3A_66 = tpu.memref_slice %arg2[%dma_start3A_64, %dma_start3A_65] : memref<1024x256xf32, #tpu.memory_space<hbm>> -> memref<1024x256xf32, #tpu.memory_space<hbm>>
    tpu.enqueue_indirect_dma source(%dma_start3A_66 : memref<1024x256xf32, #tpu.memory_space<hbm>>) target(%arg7 : memref<96x256xf32, #tpu.memory_space<vmem>>) offsets(%dma_start3A_63 : memref<96xi32, #tpu.memory_space<vmem>>) semaphore(%arg10 : memref<!tpu.dma_semaphore, #tpu.memory_space<semaphore_mem>>)
    %dma_wait3A_67 = arith.constant 288 : i32
    %dma_wait3A_68 = tpu.memref_slice %arg5[%dma_wait3A_67] : memref<576xi32, #tpu.memory_space<vmem>> -> memref<96xi32, #tpu.memory_space<vmem>>
    %dma_wait3A_69 = arith.constant 0 : i32
    %dma_wait3A_70 = arith.constant 0 : i32
    %dma_wait3A_71 = tpu.memref_slice %arg2[%dma_wait3A_69, %dma_wait3A_70] : memref<1024x256xf32, #tpu.memory_space<hbm>> -> memref<1024x256xf32, #tpu.memory_space<hbm>>
    tpu.wait_indirect_dma semaphore(%arg9 : memref<!tpu.dma_semaphore, #tpu.memory_space<semaphore_mem>>) src(%dma_wait3A_71 : memref<1024x256xf32, #tpu.memory_space<hbm>>) dst(%arg6 : memref<96x256xf32, #tpu.memory_space<vmem>>)
    %add3A_72 = arith.constant 288 : i32
    %add3A_73 = arith.addi %mul3A_2, %add3A_72 : i32
    %dma_start3A_74 = arith.constant 0 : i32
    %dma_start3A_75 = tpu.memref_slice %arg4[%add3A_73, %dma_start3A_74] : memref<18432x256xf32, #tpu.memory_space<hbm>> -> memref<96x256xf32, #tpu.memory_space<hbm>>
    %dma_start3A_76 = arith.constant 0 : i32
    %dma_start3A_77 = tpu.memref_slice %arg4[%add3A_73, %dma_start3A_76] : memref<18432x256xf32, #tpu.memory_space<hbm>> -> memref<96x256xf32, #tpu.memory_space<hbm>>
    tpu.enqueue_dma source(%arg6 : memref<96x256xf32, #tpu.memory_space<vmem>>) target(%dma_start3A_77 : memref<96x256xf32, #tpu.memory_space<hbm>>) target_semaphore(%arg12 : memref<!tpu.dma_semaphore, #tpu.memory_space<semaphore_mem>>)
    %dma_wait3A_78 = arith.constant 0 : i32
    %dma_wait3A_79 = tpu.memref_slice %arg4[%add3A_53, %dma_wait3A_78] : memref<18432x256xf32, #tpu.memory_space<hbm>> -> memref<96x256xf32, #tpu.memory_space<hbm>>
    %dma_wait3A_80 = arith.constant 0 : i32
    %dma_wait3A_81 = tpu.memref_slice %arg4[%add3A_53, %dma_wait3A_80] : memref<18432x256xf32, #tpu.memory_space<hbm>> -> memref<96x256xf32, #tpu.memory_space<hbm>>
    tpu.wait_dma2 semaphore(%arg14 : memref<!tpu.dma_semaphore, #tpu.memory_space<semaphore_mem>>) src(%arg8 : memref<96x256xf32, #tpu.memory_space<vmem>>) dst(%dma_wait3A_81 : memref<96x256xf32, #tpu.memory_space<hbm>>)
    %dma_start3A_82 = arith.constant 480 : i32
    %dma_start3A_83 = tpu.memref_slice %arg5[%dma_start3A_82] : memref<576xi32, #tpu.memory_space<vmem>> -> memref<96xi32, #tpu.memory_space<vmem>>
    %dma_start3A_84 = arith.constant 0 : i32
    %dma_start3A_85 = arith.constant 0 : i32
    %dma_start3A_86 = tpu.memref_slice %arg2[%dma_start3A_84, %dma_start3A_85] : memref<1024x256xf32, #tpu.memory_space<hbm>> -> memref<1024x256xf32, #tpu.memory_space<hbm>>
    tpu.enqueue_indirect_dma source(%dma_start3A_86 : memref<1024x256xf32, #tpu.memory_space<hbm>>) target(%arg8 : memref<96x256xf32, #tpu.memory_space<vmem>>) offsets(%dma_start3A_83 : memref<96xi32, #tpu.memory_space<vmem>>) semaphore(%arg11 : memref<!tpu.dma_semaphore, #tpu.memory_space<semaphore_mem>>)
    %dma_wait3A_87 = arith.constant 384 : i32
    %dma_wait3A_88 = tpu.memref_slice %arg5[%dma_wait3A_87] : memref<576xi32, #tpu.memory_space<vmem>> -> memref<96xi32, #tpu.memory_space<vmem>>
    %dma_wait3A_89 = arith.constant 0 : i32
    %dma_wait3A_90 = arith.constant 0 : i32
    %dma_wait3A_91 = tpu.memref_slice %arg2[%dma_wait3A_89, %dma_wait3A_90] : memref<1024x256xf32, #tpu.memory_space<hbm>> -> memref<1024x256xf32, #tpu.memory_space<hbm>>
    tpu.wait_indirect_dma semaphore(%arg10 : memref<!tpu.dma_semaphore, #tpu.memory_space<semaphore_mem>>) src(%dma_wait3A_91 : memref<1024x256xf32, #tpu.memory_space<hbm>>) dst(%arg7 : memref<96x256xf32, #tpu.memory_space<vmem>>)
    %add3A_92 = arith.constant 384 : i32
    %add3A_93 = arith.addi %mul3A_2, %add3A_92 : i32
    %dma_start3A_94 = arith.constant 0 : i32
    %dma_start3A_95 = tpu.memref_slice %arg4[%add3A_93, %dma_start3A_94] : memref<18432x256xf32, #tpu.memory_space<hbm>> -> memref<96x256xf32, #tpu.memory_space<hbm>>
    %dma_start3A_96 = arith.constant 0 : i32
    %dma_start3A_97 = tpu.memref_slice %arg4[%add3A_93, %dma_start3A_96] : memref<18432x256xf32, #tpu.memory_space<hbm>> -> memref<96x256xf32, #tpu.memory_space<hbm>>
    tpu.enqueue_dma source(%arg7 : memref<96x256xf32, #tpu.memory_space<vmem>>) target(%dma_start3A_97 : memref<96x256xf32, #tpu.memory_space<hbm>>) target_semaphore(%arg13 : memref<!tpu.dma_semaphore, #tpu.memory_space<semaphore_mem>>)
    %dma_wait3A_98 = arith.constant 480 : i32
    %dma_wait3A_99 = tpu.memref_slice %arg5[%dma_wait3A_98] : memref<576xi32, #tpu.memory_space<vmem>> -> memref<96xi32, #tpu.memory_space<vmem>>
    %dma_wait3A_100 = arith.constant 0 : i32
    %dma_wait3A_101 = arith.constant 0 : i32
    %dma_wait3A_102 = tpu.memref_slice %arg2[%dma_wait3A_100, %dma_wait3A_101] : memref<1024x256xf32, #tpu.memory_space<hbm>> -> memref<1024x256xf32, #tpu.memory_space<hbm>>
    tpu.wait_indirect_dma semaphore(%arg11 : memref<!tpu.dma_semaphore, #tpu.memory_space<semaphore_mem>>) src(%dma_wait3A_102 : memref<1024x256xf32, #tpu.memory_space<hbm>>) dst(%arg8 : memref<96x256xf32, #tpu.memory_space<vmem>>)
    %add3A_103 = arith.constant 480 : i32
    %add3A_104 = arith.addi %mul3A_2, %add3A_103 : i32
    %dma_start3A_105 = arith.constant 0 : i32
    %dma_start3A_106 = tpu.memref_slice %arg4[%add3A_104, %dma_start3A_105] : memref<18432x256xf32, #tpu.memory_space<hbm>> -> memref<96x256xf32, #tpu.memory_space<hbm>>
    %dma_start3A_107 = arith.constant 0 : i32
    %dma_start3A_108 = tpu.memref_slice %arg4[%add3A_104, %dma_start3A_107] : memref<18432x256xf32, #tpu.memory_space<hbm>> -> memref<96x256xf32, #tpu.memory_space<hbm>>
    tpu.enqueue_dma source(%arg8 : memref<96x256xf32, #tpu.memory_space<vmem>>) target(%dma_start3A_108 : memref<96x256xf32, #tpu.memory_space<hbm>>) target_semaphore(%arg14 : memref<!tpu.dma_semaphore, #tpu.memory_space<semaphore_mem>>)
    %dma_wait3A_109 = arith.constant 0 : i32
    %dma_wait3A_110 = tpu.memref_slice %arg4[%add3A_73, %dma_wait3A_109] : memref<18432x256xf32, #tpu.memory_space<hbm>> -> memref<96x256xf32, #tpu.memory_space<hbm>>
    %dma_wait3A_111 = arith.constant 0 : i32
    %dma_wait3A_112 = tpu.memref_slice %arg4[%add3A_73, %dma_wait3A_111] : memref<18432x256xf32, #tpu.memory_space<hbm>> -> memref<96x256xf32, #tpu.memory_space<hbm>>
    tpu.wait_dma2 semaphore(%arg12 : memref<!tpu.dma_semaphore, #tpu.memory_space<semaphore_mem>>) src(%arg6 : memref<96x256xf32, #tpu.memory_space<vmem>>) dst(%dma_wait3A_112 : memref<96x256xf32, #tpu.memory_space<hbm>>)
    %dma_wait3A_113 = arith.constant 0 : i32
    %dma_wait3A_114 = tpu.memref_slice %arg4[%add3A_93, %dma_wait3A_113] : memref<18432x256xf32, #tpu.memory_space<hbm>> -> memref<96x256xf32, #tpu.memory_space<hbm>>
    %dma_wait3A_115 = arith.constant 0 : i32
    %dma_wait3A_116 = tpu.memref_slice %arg4[%add3A_93, %dma_wait3A_115] : memref<18432x256xf32, #tpu.memory_space<hbm>> -> memref<96x256xf32, #tpu.memory_space<hbm>>
    tpu.wait_dma2 semaphore(%arg13 : memref<!tpu.dma_semaphore, #tpu.memory_space<semaphore_mem>>) src(%arg7 : memref<96x256xf32, #tpu.memory_space<vmem>>) dst(%dma_wait3A_116 : memref<96x256xf32, #tpu.memory_space<hbm>>)
    %dma_wait3A_117 = arith.constant 0 : i32
    %dma_wait3A_118 = tpu.memref_slice %arg4[%add3A_104, %dma_wait3A_117] : memref<18432x256xf32, #tpu.memory_space<hbm>> -> memref<96x256xf32, #tpu.memory_space<hbm>>
    %dma_wait3A_119 = arith.constant 0 : i32
    %dma_wait3A_120 = tpu.memref_slice %arg4[%add3A_104, %dma_wait3A_119] : memref<18432x256xf32, #tpu.memory_space<hbm>> -> memref<96x256xf32, #tpu.memory_space<hbm>>
    tpu.wait_dma2 semaphore(%arg14 : memref<!tpu.dma_semaphore, #tpu.memory_space<semaphore_mem>>) src(%arg8 : memref<96x256xf32, #tpu.memory_space<vmem>>) dst(%dma_wait3A_120 : memref<96x256xf32, #tpu.memory_space<hbm>>)
    return
  }
}

module attributes {stable_mosaic.version = 14 : i64} {
  func.func @_argmin_tc_body(%arg0: i32, %arg1: memref<6144x256xf32, #tpu.memory_space<vmem>>, %arg2: memref<1024x256xf32, #tpu.memory_space<vmem>>, %arg3: memref<6144xi32, #tpu.memory_space<vmem>>, %arg4: memref<1xf32, #tpu.memory_space<smem>>, %arg5: memref<1xf32, #tpu.memory_space<smem>>, %arg6: memref<1x1024xf32, #tpu.memory_space<vmem>>) attributes {dimension_semantics = [#tpu.dimension_semantics<arbitrary>], iteration_bounds = array<i64: 3>, scalar_prefetch = 0 : i64, scratch_operands = 2 : i64, tpu.core_type = #tpu.core_type<tc>, window_params = [{transform_indices = @transform_0, window_bounds = array<i64: 6144, 256>}, {pipeline_mode = #tpu.pipeline_mode<synchronous>, transform_indices = @transform_1, window_bounds = array<i64: 1024, 256>}, {transform_indices = @transform_2, window_bounds = array<i64: 6144>}, {transform_indices = @transform_3, window_bounds = array<i64: 1>}]} {
    %eq3A = arith.constant 0 : i32
    %eq3A_0 = arith.cmpi eq, %arg0, %eq3A : i32
    %convert_element_type3A = arith.extui %eq3A_0 : i1 to i32
    %cond3A = arith.constant 0 : i32
    %cond3A_1 = arith.cmpi ne, %convert_element_type3A, %cond3A : i32
    scf.if %cond3A_1 {
      %swap3A_73 = arith.constant 0.000000e+00 : f32
      %swap3A_74 = arith.constant 0 : index
      %swap3A_75 = memref.load %arg5[%swap3A_74] : memref<1xf32, #tpu.memory_space<smem>>
      memref.store %swap3A_73, %arg5[%swap3A_74] : memref<1xf32, #tpu.memory_space<smem>>
      %get3A_76 = arith.constant 0 : index
      %get3A_77 = arith.constant 0 : index
      %get3A_78 = vector.load %arg2[%get3A_76, %get3A_77] : memref<1024x256xf32, #tpu.memory_space<vmem>>, vector<1024x256xf32>
      %mul3A_79 = arith.mulf %get3A_78, %get3A_78 : vector<1024x256xf32>
      %reduce_sum3A_80 = arith.constant dense<0.000000e+00> : vector<1024xf32>
      %reduce_sum3A_81 = vector.multi_reduction <add>, %mul3A_79, %reduce_sum3A_80 [1] : vector<1024x256xf32> to vector<1024xf32>
      %broadcast_in_dim3A_82 = vector.shape_cast %reduce_sum3A_81 : vector<1024xf32> to vector<1x1024xf32>
      %swap3A_83 = arith.constant 0 : index
      %swap3A_84 = arith.constant 0 : index
      %swap3A_85 = vector.load %arg6[%swap3A_83, %swap3A_84] : memref<1x1024xf32, #tpu.memory_space<vmem>>, vector<1x1024xf32>
      tpu.vector_store %arg6[%swap3A_83, %swap3A_84], %broadcast_in_dim3A_82 {strides = array<i32>} : memref<1x1024xf32, #tpu.memory_space<vmem>>, vector<1x1024xf32>,
    } else {
    }
    %get3A = arith.constant 0 : index
    %get3A_2 = arith.constant 0 : index
    %get3A_3 = vector.load %arg1[%get3A, %get3A_2] : memref<6144x256xf32, #tpu.memory_space<vmem>>, vector<6144x256xf32>
    %mul3A = arith.mulf %get3A_3, %get3A_3 : vector<6144x256xf32>
    %reduce_sum3A = arith.constant dense<0.000000e+00> : vector<6144xf32>
    %reduce_sum3A_4 = vector.multi_reduction <add>, %mul3A, %reduce_sum3A [1] : vector<6144x256xf32> to vector<6144xf32>
    %broadcast_in_dim3A = vector.shape_cast %reduce_sum3A_4 : vector<6144xf32> to vector<6144x1xf32>
    %add3A = arith.addf %get3A_3, %get3A_3 : vector<6144x256xf32>
    %get3A_5 = arith.constant 0 : index
    %get3A_6 = arith.constant 0 : index
    %get3A_7 = vector.load %arg2[%get3A_5, %get3A_6] : memref<1024x256xf32, #tpu.memory_space<vmem>>, vector<512x256xf32>
    %get3A_8 = arith.constant 0 : index
    %get3A_9 = arith.constant 0 : index
    %get3A_10 = vector.load %arg6[%get3A_8, %get3A_9] : memref<1x1024xf32, #tpu.memory_space<vmem>>, vector<1x512xf32>
    %dot_general3A = arith.constant dense<0.000000e+00> : vector<6144x512xf32>
    %dot_general3A_11 = tpu.matmul %add3A, %get3A_7, %dot_general3A {dimension_numbers = #tpu.dot_dimension_numbers<[1], [1], [0], [0], [0, 0, 1, 0], [], []>, transpose_lhs_hint = false} : vector<6144x256xf32>, vector<512x256xf32>, vector<6144x512xf32> -> vector<6144x512xf32>
    %sub3A = vector.broadcast %broadcast_in_dim3A : vector<6144x1xf32> to vector<6144x512xf32>
    %sub3A_12 = arith.subf %sub3A, %dot_general3A_11 : vector<6144x512xf32>
    %add3A_13 = vector.broadcast %get3A_10 : vector<1x512xf32> to vector<6144x512xf32>
    %add3A_14 = arith.addf %sub3A_12, %add3A_13 : vector<6144x512xf32>
    %reduce_min3A = arith.constant dense<0x7F800000> : vector<6144xf32>
    %reduce_min3A_15 = vector.multi_reduction <minimumf>, %add3A_14, %reduce_min3A [1] : vector<6144x512xf32> to vector<6144xf32>
    %broadcast_in_dim3A_16 = vector.shape_cast %reduce_min3A_15 : vector<6144xf32> to vector<6144x1xf32>
    %iota3A = tpu.iota {dimensions = array<i32: 1>} : vector<6144x512xi32>
    %convert_element_type3A_17 = arith.sitofp %iota3A : vector<6144x512xi32> to vector<6144x512xf32>
    %eq3A_18 = vector.broadcast %broadcast_in_dim3A_16 : vector<6144x1xf32> to vector<6144x512xf32>
    %eq3A_19 = arith.cmpf oeq, %add3A_14, %eq3A_18 : vector<6144x512xf32>
    %jit3A = arith.constant 5.120000e+02 : f32
    %broadcast_in_dim3A_20 = vector.broadcast %jit3A : f32 to vector<6144x512xf32>
    %select_n3A = arith.select %eq3A_19, %convert_element_type3A_17, %broadcast_in_dim3A_20 : vector<6144x512xi1>, vector<6144x512xf32>
    %reduce_min3A_21 = arith.constant dense<0x7F800000> : vector<6144xf32>
    %reduce_min3A_22 = vector.multi_reduction <minimumf>, %select_n3A, %reduce_min3A_21 [1] : vector<6144x512xf32> to vector<6144xf32>
    %broadcast_in_dim3A_23 = vector.shape_cast %reduce_min3A_22 : vector<6144xf32> to vector<6144x1xf32>
    %add3A_24 = arith.constant 0.000000e+00 : f32
    %add3A_25 = vector.broadcast %add3A_24 : f32 to vector<6144x1xf32>
    %add3A_26 = arith.addf %broadcast_in_dim3A_23, %add3A_25 : vector<6144x1xf32>
    %get3A_27 = arith.constant 512 : index
    %get3A_28 = arith.constant 0 : index
    %get3A_29 = vector.load %arg2[%get3A_27, %get3A_28] : memref<1024x256xf32, #tpu.memory_space<vmem>>, vector<512x256xf32>
    %get3A_30 = arith.constant 0 : index
    %get3A_31 = arith.constant 512 : index
    %get3A_32 = vector.load %arg6[%get3A_30, %get3A_31] : memref<1x1024xf32, #tpu.memory_space<vmem>>, vector<1x512xf32>
    %dot_general3A_33 = arith.constant dense<0.000000e+00> : vector<6144x512xf32>
    %dot_general3A_34 = tpu.matmul %add3A, %get3A_29, %dot_general3A_33 {dimension_numbers = #tpu.dot_dimension_numbers<[1], [1], [0], [0], [0, 0, 1, 0], [], []>, transpose_lhs_hint = false} : vector<6144x256xf32>, vector<512x256xf32>, vector<6144x512xf32> -> vector<6144x512xf32>
    %sub3A_35 = vector.broadcast %broadcast_in_dim3A : vector<6144x1xf32> to vector<6144x512xf32>
    %sub3A_36 = arith.subf %sub3A_35, %dot_general3A_34 : vector<6144x512xf32>
    %add3A_37 = vector.broadcast %get3A_32 : vector<1x512xf32> to vector<6144x512xf32>
    %add3A_38 = arith.addf %sub3A_36, %add3A_37 : vector<6144x512xf32>
    %reduce_min3A_39 = arith.constant dense<0x7F800000> : vector<6144xf32>
    %reduce_min3A_40 = vector.multi_reduction <minimumf>, %add3A_38, %reduce_min3A_39 [1] : vector<6144x512xf32> to vector<6144xf32>
    %broadcast_in_dim3A_41 = vector.shape_cast %reduce_min3A_40 : vector<6144xf32> to vector<6144x1xf32>
    %iota3A_42 = tpu.iota {dimensions = array<i32: 1>} : vector<6144x512xi32>
    %convert_element_type3A_43 = arith.sitofp %iota3A_42 : vector<6144x512xi32> to vector<6144x512xf32>
    %eq3A_44 = vector.broadcast %broadcast_in_dim3A_41 : vector<6144x1xf32> to vector<6144x512xf32>
    %eq3A_45 = arith.cmpf oeq, %add3A_38, %eq3A_44 : vector<6144x512xf32>
    %jit3A_46 = arith.constant 5.120000e+02 : f32
    %broadcast_in_dim3A_47 = vector.broadcast %jit3A_46 : f32 to vector<6144x512xf32>
    %select_n3A_48 = arith.select %eq3A_45, %convert_element_type3A_43, %broadcast_in_dim3A_47 : vector<6144x512xi1>, vector<6144x512xf32>
    %reduce_min3A_49 = arith.constant dense<0x7F800000> : vector<6144xf32>
    %reduce_min3A_50 = vector.multi_reduction <minimumf>, %select_n3A_48, %reduce_min3A_49 [1] : vector<6144x512xf32> to vector<6144xf32>
    %broadcast_in_dim3A_51 = vector.shape_cast %reduce_min3A_50 : vector<6144xf32> to vector<6144x1xf32>
    %add3A_52 = arith.constant 5.120000e+02 : f32
    %add3A_53 = vector.broadcast %add3A_52 : f32 to vector<6144x1xf32>
    %add3A_54 = arith.addf %broadcast_in_dim3A_51, %add3A_53 : vector<6144x1xf32>
    %lt3A = arith.cmpf olt, %broadcast_in_dim3A_41, %broadcast_in_dim3A_16 : vector<6144x1xf32>
    %select_n3A_55 = arith.select %lt3A, %add3A_54, %add3A_26 : vector<6144x1xi1>, vector<6144x1xf32>
    %min3A = arith.minimumf %broadcast_in_dim3A_16, %broadcast_in_dim3A_41 : vector<6144x1xf32>
    %squeeze3A = vector.shape_cast %select_n3A_55 : vector<6144x1xf32> to vector<6144xf32>
    %convert_element_type3A_56 = arith.fptosi %squeeze3A : vector<6144xf32> to vector<6144xi32>
    %swap3A = arith.constant 0 : index
    %swap3A_57 = vector.load %arg3[%swap3A] : memref<6144xi32, #tpu.memory_space<vmem>>, vector<6144xi32>
    tpu.vector_store %arg3[%swap3A], %convert_element_type3A_56 {strides = array<i32>} : memref<6144xi32, #tpu.memory_space<vmem>>, vector<6144xi32>,
    %get3A_58 = arith.constant 0 : index
    %get3A_59 = memref.load %arg5[%get3A_58] : memref<1xf32, #tpu.memory_space<smem>>
    %reduce_sum3A_60 = vector.shape_cast %min3A : vector<6144x1xf32> to vector<1x6144x1xf32>
    %reduce_sum3A_61 = arith.constant dense<0.000000e+00> : vector<1xf32>
    %reduce_sum3A_62 = vector.multi_reduction <add>, %reduce_sum3A_60, %reduce_sum3A_61 [1, 2] : vector<1x6144x1xf32> to vector<1xf32>
    %reduce_sum3A_63 = vector.shape_cast %reduce_sum3A_62 : vector<1xf32> to vector<1x1x1xf32>
    %reduce_sum3A_64 = vector.extract %reduce_sum3A_63[0, 0, 0] : f32 from vector<1x1x1xf32>
    %add3A_65 = arith.addf %get3A_59, %reduce_sum3A_64 : f32
    %swap3A_66 = arith.constant 0 : index
    %swap3A_67 = memref.load %arg5[%swap3A_66] : memref<1xf32, #tpu.memory_space<smem>>
    memref.store %add3A_65, %arg5[%swap3A_66] : memref<1xf32, #tpu.memory_space<smem>>
    %eq3A_68 = arith.constant 2 : i32
    %eq3A_69 = arith.cmpi eq, %arg0, %eq3A_68 : i32
    %convert_element_type3A_70 = arith.extui %eq3A_69 : i1 to i32
    %cond3A_71 = arith.constant 0 : i32
    %cond3A_72 = arith.cmpi ne, %convert_element_type3A_70, %cond3A_71 : i32
    scf.if %cond3A_72 {
      %get3A_73 = arith.constant 0 : index
      %get3A_74 = memref.load %arg5[%get3A_73] : memref<1xf32, #tpu.memory_space<smem>>
      %swap3A_75 = arith.constant 0 : index
      %swap3A_76 = memref.load %arg4[%swap3A_75] : memref<1xf32, #tpu.memory_space<smem>>
      memref.store %get3A_74, %arg4[%swap3A_75] : memref<1xf32, #tpu.memory_space<smem>>
    } else {
    }
    return
  }
  func.func @transform_0(%arg0: i32) -> (i32, i32) {
    %c0_i32 = arith.constant 0 : i32
    %c0_i32_0 = arith.constant 0 : i32
    return %arg0, %c0_i32 : i32, i32
  }
  func.func @transform_1(%arg0: i32) -> (i32, i32) {
    %c0_i32 = arith.constant 0 : i32
    %c0_i32_0 = arith.constant 0 : i32
    %c0_i32_1 = arith.constant 0 : i32
    return %c0_i32, %c0_i32_0 : i32, i32
  }
  func.func @transform_2(%arg0: i32) -> i32 {
    %c0_i32 = arith.constant 0 : i32
    return %arg0 : i32
  }
  func.func @transform_3(%arg0: i32) -> i32 {
    %c0_i32 = arith.constant 0 : i32
    %c0_i32_0 = arith.constant 0 : i32
    return %c0_i32 : i32
  }
}

module attributes {stable_mosaic.version = 14 : i64} {
  func.func @_scalars_tc_body(%arg0: i32, %arg1: memref<6144xi32, #tpu.memory_space<vmem>>, %arg2: memref<1xf32, #tpu.memory_space<smem>>, %arg3: memref<8xf32, #tpu.memory_space<smem>>, %arg4: memref<1x1024xf32, #tpu.memory_space<vmem>>) attributes {dimension_semantics = [#tpu.dimension_semantics<arbitrary>], iteration_bounds = array<i64: 3>, scalar_prefetch = 0 : i64, scratch_operands = 1 : i64, tpu.core_type = #tpu.core_type<tc>, window_params = [{transform_indices = @transform_0, window_bounds = array<i64: 6144>}, {transform_indices = @transform_1, window_bounds = array<i64: 1>}, {transform_indices = @transform_2, window_bounds = array<i64: 8>}]} {
    %eq3A = arith.constant 0 : i32
    %eq3A_0 = arith.cmpi eq, %arg0, %eq3A : i32
    %convert_element_type3A = arith.extui %eq3A_0 : i1 to i32
    %cond3A = arith.constant 0 : i32
    %cond3A_1 = arith.cmpi ne, %convert_element_type3A, %cond3A : i32
    scf.if %cond3A_1 {
      %broadcast_in_dim3A_20 = arith.constant 0.000000e+00 : f32
      %broadcast_in_dim3A_21 = vector.broadcast %broadcast_in_dim3A_20 : f32 to vector<1x1024xf32>
      %swap3A_22 = arith.constant 0 : index
      %swap3A_23 = arith.constant 0 : index
      %swap3A_24 = vector.load %arg4[%swap3A_22, %swap3A_23] : memref<1x1024xf32, #tpu.memory_space<vmem>>, vector<1x1024xf32>
      tpu.vector_store %arg4[%swap3A_22, %swap3A_23], %broadcast_in_dim3A_21 {strides = array<i32>} : memref<1x1024xf32, #tpu.memory_space<vmem>>, vector<1x1024xf32>,
    } else {
    }
    %get3A = arith.constant 0 : index
    %get3A_2 = vector.load %arg1[%get3A] : memref<6144xi32, #tpu.memory_space<vmem>>, vector<6144xi32>
    %iota3A = tpu.iota {dimensions = array<i32: 1>} : vector<6144x1024xi32>
    %broadcast_in_dim3A = vector.shape_cast %get3A_2 : vector<6144xi32> to vector<6144x1xi32>
    %eq3A_3 = vector.broadcast %broadcast_in_dim3A : vector<6144x1xi32> to vector<6144x1024xi32>
    %eq3A_4 = arith.cmpi eq, %iota3A, %eq3A_3 : vector<6144x1024xi32>
    %jit3A = arith.constant 1.000000e+00 : f32
    %jit3A_5 = arith.constant 0.000000e+00 : f32
    %broadcast_in_dim3A_6 = vector.broadcast %jit3A : f32 to vector<6144x1024xf32>
    %broadcast_in_dim3A_7 = vector.broadcast %jit3A_5 : f32 to vector<6144x1024xf32>
    %select_n3A = arith.select %eq3A_4, %broadcast_in_dim3A_6, %broadcast_in_dim3A_7 : vector<6144x1024xi1>, vector<6144x1024xf32>
    %get3A_8 = arith.constant 0 : index
    %get3A_9 = arith.constant 0 : index
    %get3A_10 = vector.load %arg4[%get3A_8, %get3A_9] : memref<1x1024xf32, #tpu.memory_space<vmem>>, vector<1x1024xf32>
    %reduce_sum3A = arith.constant dense<0.000000e+00> : vector<1024xf32>
    %reduce_sum3A_11 = vector.multi_reduction <add>, %select_n3A, %reduce_sum3A [0] : vector<6144x1024xf32> to vector<1024xf32>
    %broadcast_in_dim3A_12 = vector.shape_cast %reduce_sum3A_11 : vector<1024xf32> to vector<1x1024xf32>
    %add3A = arith.addf %get3A_10, %broadcast_in_dim3A_12 : vector<1x1024xf32>
    %swap3A = arith.constant 0 : index
    %swap3A_13 = arith.constant 0 : index
    %swap3A_14 = vector.load %arg4[%swap3A, %swap3A_13] : memref<1x1024xf32, #tpu.memory_space<vmem>>, vector<1x1024xf32>
    tpu.vector_store %arg4[%swap3A, %swap3A_13], %add3A {strides = array<i32>} : memref<1x1024xf32, #tpu.memory_space<vmem>>, vector<1x1024xf32>,
    %eq3A_15 = arith.constant 2 : i32
    %eq3A_16 = arith.cmpi eq, %arg0, %eq3A_15 : i32
    %convert_element_type3A_17 = arith.extui %eq3A_16 : i1 to i32
    %cond3A_18 = arith.constant 0 : i32
    %cond3A_19 = arith.cmpi ne, %convert_element_type3A_17, %cond3A_18 : i32
    scf.if %cond3A_19 {
      %get3A_20 = arith.constant 0 : index
      %get3A_21 = arith.constant 0 : index
      %get3A_22 = vector.load %arg4[%get3A_20, %get3A_21] : memref<1x1024xf32, #tpu.memory_space<vmem>>, vector<1x1024xf32>
      %div3A = arith.constant 1.843200e+04 : f32
      %div3A_23 = vector.broadcast %div3A : f32 to vector<1x1024xf32>
      %div3A_24 = arith.divf %get3A_22, %div3A_23 : vector<1x1024xf32>
      %add3A_25 = arith.constant 1.000000e-10 : f32
      %add3A_26 = vector.broadcast %add3A_25 : f32 to vector<1x1024xf32>
      %add3A_27 = arith.addf %div3A_24, %add3A_26 : vector<1x1024xf32>
      %log3A = math.log %add3A_27 : vector<1x1024xf32>
      %mul3A = arith.mulf %div3A_24, %log3A : vector<1x1024xf32>
      %reduce_sum3A_28 = vector.shape_cast %mul3A : vector<1x1024xf32> to vector<1x1x1024xf32>
      %reduce_sum3A_29 = arith.constant dense<0.000000e+00> : vector<1xf32>
      %reduce_sum3A_30 = vector.multi_reduction <add>, %reduce_sum3A_28, %reduce_sum3A_29 [1, 2] : vector<1x1x1024xf32> to vector<1xf32>
      %reduce_sum3A_31 = vector.shape_cast %reduce_sum3A_30 : vector<1xf32> to vector<1x1x1xf32>
      %reduce_sum3A_32 = vector.extract %reduce_sum3A_31[0, 0, 0] : f32 from vector<1x1x1xf32>
      %neg3A = arith.constant 0.000000e+00 : f32
      %neg3A_33 = arith.subf %neg3A, %reduce_sum3A_32 : f32
      %exp3A = math.exp %neg3A_33 : f32
      %gt3A = arith.constant 0.000000e+00 : f32
      %gt3A_34 = vector.broadcast %gt3A : f32 to vector<1x1024xf32>
      %gt3A_35 = arith.cmpf ogt, %get3A_22, %gt3A_34 : vector<1x1024xf32>
      %convert_element_type3A_36 = arith.extui %gt3A_35 : vector<1x1024xi1> to vector<1x1024xi32>
      %convert_element_type3A_37 = arith.sitofp %convert_element_type3A_36 : vector<1x1024xi32> to vector<1x1024xf32>
      %reduce_sum3A_38 = vector.shape_cast %convert_element_type3A_37 : vector<1x1024xf32> to vector<1x1x1024xf32>
      %reduce_sum3A_39 = arith.constant dense<0.000000e+00> : vector<1xf32>
      %reduce_sum3A_40 = vector.multi_reduction <add>, %reduce_sum3A_38, %reduce_sum3A_39 [1, 2] : vector<1x1x1024xf32> to vector<1xf32>
      %reduce_sum3A_41 = vector.shape_cast %reduce_sum3A_40 : vector<1xf32> to vector<1x1x1xf32>
      %reduce_sum3A_42 = vector.extract %reduce_sum3A_41[0, 0, 0] : f32 from vector<1x1x1xf32>
      %div3A_43 = arith.constant 1.024000e+03 : f32
      %div3A_44 = arith.divf %reduce_sum3A_42, %div3A_43 : f32
      %get3A_45 = arith.constant 0 : index
      %get3A_46 = memref.load %arg2[%get3A_45] : memref<1xf32, #tpu.memory_space<smem>>
      %div3A_47 = arith.constant 0x4A900000 : f32
      %div3A_48 = arith.divf %get3A_46, %div3A_47 : f32
      %mul3A_49 = arith.constant 2.500000e-01 : f32
      %mul3A_50 = arith.mulf %mul3A_49, %div3A_48 : f32
      %add3A_51 = arith.addf %div3A_48, %mul3A_50 : f32
      %swap3A_52 = arith.constant 0 : index
      %swap3A_53 = memref.load %arg3[%swap3A_52] : memref<8xf32, #tpu.memory_space<smem>>
      memref.store %add3A_51, %arg3[%swap3A_52] : memref<8xf32, #tpu.memory_space<smem>>
      %swap3A_54 = arith.constant 1 : index
      %swap3A_55 = memref.load %arg3[%swap3A_54] : memref<8xf32, #tpu.memory_space<smem>>
      memref.store %div3A_48, %arg3[%swap3A_54] : memref<8xf32, #tpu.memory_space<smem>>
      %swap3A_56 = arith.constant 2 : index
      %swap3A_57 = memref.load %arg3[%swap3A_56] : memref<8xf32, #tpu.memory_space<smem>>
      memref.store %div3A_48, %arg3[%swap3A_56] : memref<8xf32, #tpu.memory_space<smem>>
      %swap3A_58 = arith.constant 3 : index
      %swap3A_59 = memref.load %arg3[%swap3A_58] : memref<8xf32, #tpu.memory_space<smem>>
      memref.store %exp3A, %arg3[%swap3A_58] : memref<8xf32, #tpu.memory_space<smem>>
      %swap3A_60 = arith.constant 4 : index
      %swap3A_61 = memref.load %arg3[%swap3A_60] : memref<8xf32, #tpu.memory_space<smem>>
      memref.store %div3A_44, %arg3[%swap3A_60] : memref<8xf32, #tpu.memory_space<smem>>
    } else {
    }
    return
  }
  func.func @transform_0(%arg0: i32) -> i32 {
    %c0_i32 = arith.constant 0 : i32
    return %arg0 : i32
  }
  func.func @transform_1(%arg0: i32) -> i32 {
    %c0_i32 = arith.constant 0 : i32
    %c0_i32_0 = arith.constant 0 : i32
    return %c0_i32 : i32
  }
  func.func @transform_2(%arg0: i32) -> i32 {
    %c0_i32 = arith.constant 0 : i32
    %c0_i32_0 = arith.constant 0 : i32
    return %c0_i32 : i32
  }
}

</mosaic_0001>

<sc_bundles>
// kernel: kernel.5.cloned.1.call-start
scs
__scs_entry_jumppad:
0x0: {  	(pc) =	sbr.rel $0x88, $3  }
0x1: {  	(tag) =	ssettag $0x0;
	lr =	simm.s32 $0x1  }
0x2: {  	[smem:$0x3F9F] =	sst lr;
	_ =	strace $0xD0000000  }
0x3: {  	_ = 	snop  }
0x4: {  	_ = 	snop  }
0x5: {  	_ = 	snop  }
0x6: {  	_ = 	snop  }
0x7: {  	_ = 	snop  }
__scs_overlays_trampoline_lowered:
0x8: {  	[smem:$0x3FAE] =	sst s0  }
0x9: {  	[smem:$0x3FAF] =	sst s1  }
0xa: {  	[smem:$0x3FB0] =	sst s2  }
0xb: {  	[smem:$0x3FB1] =	sst s3  }
0xc: {  	[smem:$0x3FB2] =	sst s4  }
0xd: {  	[smem:$0x3FB3] =	sst s5  }
0xe: {  	[smem:$0x3FB4] =	sst s6  }
0xf: {  	[smem:$0x3FB5] =	sst s7  }
0x10: {  	[smem:$0x3FB6] =	sst s8  }
0x11: {  	[smem:$0x3FB7] =	sst s9;
	s0 =	simm.s32 @!p0 $0x0  }
0x12: {  	s1 =	sld [smem:$0x3F9D];
	s0 =	simm.s32 @p0 $0x1  }
0x13: {  	[smem:$0x3FB8] =	sst s0;
	s0 =	simm.s32 @!p1 $0x0  }
0x14: {  	s2 =	sld [smem:$0x3F9C];
	s0 =	simm.s32 @p1 $0x1  }
0x15: {  	[smem:$0x3FB9] =	sst s0;
	s0 =	simm.s32 @!p2 $0x0  }
0x16: {  	s3 =	sld [smem:$0x3FDB];
	s0 =	simm.s32 @p2 $0x1  }
0x17: {  	s4 =	simm.s32 $0x1BF5;
	[smem:$0x3FBB] =	sst s0  }
0x18: {  	s0 =	sld [smem:$0x3F9E];
	_ =	swait.ge [sflag:s4], $0x0  }
0x19: {  	s7 =	sld [smem:$0x3F9F]  }
0x1a: {  	s8 =	sadd.s32 $0xFFFFE003, lr  }
0x1b: {  	s9 =	sadd.s32 $0xFFFFFEF7, lr;
	s5 =	simm.s32 $0xFFFFFFFF;
	p2 =	slt.u32 s8, $0xFFFFF086  }
0x1c: {  	p1 =	slt.u32 s9, $0xF7A;
	s5 =	simm.s32 @!p2 $0x0  }
0x1d: {  	s5 =	simm.s32 @p1 $0x1;
	p0 =	seq.s32 s7, s2  }
0x1e: {  	s7 =	smul.u32 @!p0 $0xF7A, s2;
	p2 =	seq.s32 @!p0 s5, $0x0  }
0x1f: {  	s9 =	smul.u32 $0xF7A, s1;
	s8 =	simm.s32 @!p0 $0x1BF5;
	p2 =	por !p2, p0  }
0x20: {  	[sflag:s8] =	ssyncset.s32 @!p0 $0xFFFFF086;
	s6 =	sadd.s32 @!p0 s3, s7;
	s7 =	simm.s32 @!p0 $0x108  }
0x21: {  	s3 =	sadd.s32 s3, s9;
	s6 =	sadd.s32 @!p0 $0x88, s6;
	s7 =	simm.s32 @p2 $0x1082  }
0x22: {  	[simem:s7], [sflag:s8] =	dma.local @!p0 [hbm:s6], $0xF7A  }
0x23: {  	s9 =	sor.u32 $0xD0000000, s2;
	s6 =	simm.s32 $0x108;
	_ =	swait.ge @!p0 [sflag:s8], $0x0  }
0x24: {  	s3 =	sadd.s32 $0x88, s3;
	s6 =	simm.s32 @!p1 $0x1082;
	[sflag:s4] =	ssyncset.s32 $0xFFFFF086  }
0x25: {  	[simem:s6], [sflag:s4] =	dma.local [hbm:s3], $0xF7A  }
0x26: {  	[smem:$0x3F9F] =	sst s1;
	(tag) =	ssettag s2;
	_ =	strace s9  }
0x27: {  	s1 =	sld [smem:$0x3FAF]  }
0x28: {  	s2 =	sld [smem:$0x3FB0]  }
0x29: {  	s4 =	sld [smem:$0x3FB2]  }
0x2a: {  	p0 =	seq.s32 s5, $0x0;
	s5 =	sld [smem:$0x3FB3]  }
0x2b: {  	s6 =	sld [smem:$0x3FB4]  }
0x2c: {  	s7 =	sld [smem:$0x3FB5]  }
0x2d: {  	s3 =	simm.s32 $0x108;
	s8 =	sld [smem:$0x3FB6]  }
0x2e: {  	s3 =	simm.s32 @!p0 $0x1082;
	s9 =	sld [smem:$0x3FB7]  }
0x2f: {  	lr =	sadd.s32 s0, s3;
	s0 =	sld [smem:$0x3FAE]  }
0x30: {  	s3 =	sld [smem:$0x3FB1]  }
0x31: {  	[smem:$0x3FBA] =	sst s10  }
0x32: {  	s10 =	sld [smem:$0x3FB8];
	_ =	sdelay $0x3  }
0x33: {  	p0 =	seq.s32 s10, $0x1;
	s10 =	sld [smem:$0x3FBA];
	_ =	sdelay $0x3  }
0x34: {  	[smem:$0x3FBA] =	sst s10  }
0x35: {  	s10 =	sld [smem:$0x3FB9];
	_ =	sdelay $0x3  }
0x36: {  	p1 =	seq.s32 s10, $0x1;
	s10 =	sld [smem:$0x3FBA];
	_ =	sdelay $0x3  }
0x37: {  	[smem:$0x3FBA] =	sst s10  }
0x38: {  	s10 =	sld [smem:$0x3FBB]  }
0x39: {  	_ = 	snop;
	(pc) =	sbr.ind lr, $3  }
0x3a: {  	_ = 	snop  }
0x3b: {  	_ = 	snop  }
0x3c: {  	p2 =	seq.s32 s10, $0x1;
	s10 =	sld [smem:$0x3FBA]  }
0x3d: {  	_ =	shalt  }
0x3e: {  	_ =	shalt  }
0x3f: {  	_ =	shalt  }
0x40: {  	_ =	shalt  }
0x41: {  	_ =	shalt  }
0x42: {  	_ =	shalt  }
0x43: {  	_ =	shalt  }
0x44: {  	_ =	shalt  }
0x45: {  	_ =	shalt  }
0x46: {  	_ =	shalt  }
0x47: {  	_ =	shalt  }
0x48: {  	_ =	shalt  }
0x49: {  	_ =	shalt  }
0x4a: {  	_ =	shalt  }
0x4b: {  	_ =	shalt  }
0x4c: {  	_ =	shalt  }
0x4d: {  	_ =	shalt  }
0x4e: {  	_ =	shalt  }
0x4f: {  	_ =	shalt  }
0x50: {  	_ =	shalt  }
0x51: {  	_ =	shalt  }
0x52: {  	_ =	shalt  }
0x53: {  	_ =	shalt  }
0x54: {  	_ =	shalt  }
0x55: {  	_ =	shalt  }
0x56: {  	_ =	shalt  }
0x57: {  	_ =	shalt  }
0x58: {  	_ =	shalt  }
0x59: {  	_ =	shalt  }
0x5a: {  	_ =	shalt  }
0x5b: {  	_ =	shalt  }
0x5c: {  	_ =	shalt  }
0x5d: {  	_ =	shalt  }
0x5e: {  	_ =	shalt  }
0x5f: {  	_ =	shalt  }
0x60: {  	_ =	shalt  }
0x61: {  	_ =	shalt  }
0x62: {  	_ =	shalt  }
0x63: {  	_ =	shalt  }
0x64: {  	_ =	shalt  }
0x65: {  	_ =	shalt  }
0x66: {  	_ =	shalt  }
0x67: {  	_ =	shalt  }
0x68: {  	_ =	shalt  }
0x69: {  	_ =	shalt  }
0x6a: {  	_ =	shalt  }
0x6b: {  	_ =	shalt  }
0x6c: {  	_ =	shalt  }
0x6d: {  	_ =	shalt  }
0x6e: {  	_ =	shalt  }
0x6f: {  	_ =	shalt  }
0x70: {  	_ =	shalt  }
0x71: {  	_ =	shalt  }
0x72: {  	_ =	shalt  }
0x73: {  	_ =	shalt  }
0x74: {  	_ =	shalt  }
0x75: {  	_ =	shalt  }
0x76: {  	_ =	shalt  }
0x77: {  	_ =	shalt  }
0x78: {  	_ =	shalt  }
0x79: {  	_ =	shalt  }
0x7a: {  	_ =	shalt  }
0x7b: {  	_ =	shalt  }
0x7c: {  	_ =	shalt  }
0x7d: {  	_ =	shalt  }
0x7e: {  	_ =	shalt  }
0x7f: {  	_ =	shalt  }
0x80: {  	_ =	shalt  }
0x81: {  	_ =	shalt  }
0x82: {  	_ =	shalt  }
0x83: {  	_ =	shalt  }
0x84: {  	_ =	shalt  }
0x85: {  	_ =	shalt  }
0x86: {  	_ =	shalt  }
0x87: {  	_ =	shalt  }
.Lfunc_end0:
.L_simem_size_0:
called_computation_lowered:
.L_overlay_start_0:
0x88: {  	s2 =	sld [smem:$0x3FD9]  }
0x89: {  	s3 =	sld [smem:$0x3FFE];
	_ =	sdelay $0x1  }
0x8a: {  	s1 =	srdreg.scid  }
0x8b: {  	s0 =	sand.u32 $0x1, s1  }
0x8c: {  	s15 =	sshll.u32 s0, $0xA;
	s2 =	sadd.s32 s3, s2  }
0x8d: {  	s2 =	sadd.s32 s2, s15  }
0x8e: {  	[smem:$0x3FC6] =	sst s2  }
0x8f: {  	_ = 	snop  }
0x90: {  	s2 =	sld [smem:$0x3FD0];
	_ =	sdelay $0x2  }
0x91: {  	s4 =	simm.s32 $0xA;
	s5 =	simm.s32 $0x10;
	s16 =	sld [smem:$0x3FC8]  }
0x92: {  	[smem:s5], [sflag:s4] =	dma.local [hbm:s2], $0x1  }
0x93: {  	_ =	swait.eq [sflag:s4], $0x1  }
0x94: {  	[sflag:s4] =	ssyncset.done $0x0  }
0x95: {  	s17 =	sld [smem:$0x10];
	[sflag:s4] =	ssyncadd.s32 $0xFFFFFFFF  }
0x96: {  	s18 =	sld [smem:$0x11];
	(tm) =	ssettm $0x1  }
0x97: {  	s19 =	sld [smem:$0x3FFB];
	_ =	sdelay $0x3  }
0x98: {  	_ =	strace s19  }
0x99: {  	s5 =	sld [smem:$0x3FFC];
	_ =	sdelay $0x3  }
0x9a: {  	_ =	strace s5  }
0x9b: {  	s5 =	sld [smem:$0x3FFD];
	_ =	sdelay $0x3  }
0x9c: {  	_ =	strace s5  }
0x9d: {  	_ =	strace $0x8FFFFFFF  }
0x9e: {  	s20 =	sld [smem:$0x3FDB];
	_ =	sdelay $0x1  }
0x9f: {  	s6 =	simm.s32 $_scs_section_size  }
0xa0: {  	s7 =	simm.s32 $_size__tile_overlayer_lowered;
	s8 =	simm.s32 $_tile_overlayer_lowered  }
0xa1: {  	s23 =	simm.s32 $0x1BFF;
	s22 =	sshll.u32 s8, $0x1;
	s5 =	sadd.s32 s6, s20  }
0xa2: {  	s9 =	simm.s32 $0x0;
	s21 =	sshll.u32 s7, $0x1;
	s7 =	sadd.s32 s22, s5  }
0xa3: {  	[timem:s9], [sflag:s23] =	dma.local [hbm:s7], s21  }
0xa4: {  	_ =	swait.ge [sflag:s23], s21  }
0xa5: {  	s6 =	ssub.s32 $0x0, s21;
	[sflag:s23] =	ssyncset.done $0x0  }
0xa6: {  	[sflag:s23] =	ssyncadd.s32 s6;
	_ =	sdelay $0x1  }
0xa7: {  	s24 =	simm.s32 $0x1B8B  }
0xa8: {  	_ =	swait.ge [sflag:s24], $0x1  }
0xa9: {  	[sflag:s24] =	ssyncset.done $0x0  }
0xaa: {  	s25 =	simm.s32 $0x1B8E;
	[sflag:s24] =	ssyncadd.s32 $0xFFFFFFFF  }
0xab: {  	s26 =	simm.s32 $execute0_lowered;
	[smem:$0x3FD2] =	sst s25  }
0xac: {  	s6 =	sshll.u32 s26, $0x1;
	_ =	strace $0x80000046;
	[dreg:$0x1] =	wrdreg $0xFFFFFFFF  }
0xad: {  	s28 =	simm.s32 $_size_execute0_lowered;
	s5 =	sadd.s32 s5, s6;
	[dreg:$0x0] =	wrdreg $0x0  }
0xae: {  	s6 =	sshll.u32 s28, $0x1;
	[dreg:$0x2] =	wrdreg s5  }
0xaf: {  	[dreg:$0x3] =	wrdreg s6  }
0xb0: {  	[dreg:$0x4] =	wrdreg $0xC0  }
0xb1: {  	_ =	task [dreg:s9], $0x5FFFF  }
0xb2: {  	[dreg:$0x1] =	wrdreg $0xFFFFFFFF  }
0xb3: {  	[dreg:$0x0] =	wrdreg $0x60  }
0xb4: {  	[dreg:$0x2] =	wrdreg s16  }
0xb5: {  	[dreg:$0x3] =	wrdreg s18  }
0xb6: {  	[dreg:$0x4] =	wrdreg s17  }
0xb7: {  	[dreg:$0x5] =	wrdreg $0x9  }
0xb8: {  	_ =	task.clear_ibuf [dreg:s9], $0x6FFFF;
	_ =	strace $0x90000046  }
0xb9: {  	s29 =	simm.s32 $0x9;
	_ =	strace $0x80000048  }
0xba: {  	_ =	swait.ge [sflag:s29], $0x1  }
0xbb: {  	[sflag:s29] =	ssyncadd.s32 $0xFFFFFFFF  }
0xbc: {  	_ =	strace $0x90000048  }
0xbd: {  	_ =	sfence  }
0xbe: {  	s30 =	sld [smem:$0x0];
	_ =	sdelay $0x2  }
0xbf: {  	s31 =	sshll.u32 s1, $0xD;
	s1 =	sshrl.u32 s1, $0x2  }
0xc0: {  	s3 =	sand.u32 $0x4000, s31;
	s1 =	sadd.s32 s1, s30  }
0xc1: {  	s0 =	sor.u32 s3, s0;
	s1 =	sshll.u32 s1, $0x11  }
0xc2: {  	s0 =	sor.u32 s1, s0  }
0xc3: {  	s0 =	sadd.s32 $0x8F2B, s0  }
0xc4: {  	[sflag:s0] =	ssyncadd.remote.s32 $0x1  }
0xc5: {  	_ =	sfence.sel $0xFFFF  }
0xc6: {  	[dreg:$0x0] =	wrdreg $0xFFFFFFFF;
	(pc) =	sbr.abs _section_cstart, $3  }
0xc7: {  	[dreg:$0x1] =	wrdreg $0xFFFFFFFF  }
0xc8: {  	_ =	task.clear_ibuf [dreg:s9], $0x2FFFF;
	_ =	strace $0x9FFFFFFF  }
0xc9: {  	(tm) =	ssettm $0x7FFFFFFF  }
tec
execute0_lowered:
.L_overlay_start_1:
0x0: {  	(tag) =	ssettag $0x1  }
0x1: {  	s1 =	rddreg [dreg:$0x0]  }
0x2: {  	s0 =	srdreg.scid;
	s4 =	rddreg [dreg:$0x1]  }
0x3: {  	s2 =	stileid.u32;
	s5 =	rddreg [dreg:$0x2]  }
0x4: {  	s3 =	simm.s32 $0x0;
	s18 =	simm.s32 $0x280;
	s28 =	simm.s32 $0x2280  }
0x5: {  	s29 =	simm.s32 $0x2A80;
	s30 =	simm.s32 $0x3280;
	s8 =	simm.s32 $0x4A80  }
0x6: {  	s9 =	simm.s32 $0x5280;
	s10 =	simm.s32 $0x5A80;
	s11 =	simm.s32 $0x6A80  }
0x7: {  	s12 =	simm.s32 $0x7280;
	s13 =	simm.s32 $0x7A80;
	s14 =	simm.s32 $0x8280  }
0x8: {  	s15 =	simm.s32 $0x8A80;
	s0 =	sand.u32 $0x1, s0;
	s2 =	sshll.u32 s2, $0x1  }
0x9: {  	s16 =	simm.s32 $0x9280;
	s31 =	simm.s32 $0xAA80;
	s2 =	sor.u32 s0, s2  }
0xa: {  	s17 =	simm.s32 $0x1;
	s0 =	ssub.s32 $0x2, s0;
	s6 =	smul.u32 $0x48, s2  }
0xb: {  	[smem:$0x7FF] =	sst s3;
	s7 =	smul.u32 $0x24000, s2;
	s24 =	sshrl.u32 s0, $0x1  }
0xc: {  	_ =	strace $0x80000047;
	s2 =	smul.u32 $0x4800, s2;
	s0 =	ssub.s32 s0, s24  }
0xd: {  	s24 =	simm.s32 $0xA80;
	s4 =	sadd.s32 s4, s6;
	s19 =	sshrl.u32 s7, $0x3  }
0xe: {  	s2 =	sadd.s32 s5, s2;
	[dreg:$0x4] =	wrdreg s4;
	s20 =	sadd.s32 s5, s19  }
0xf: {  	s6 =	simm.s32 $0x2;
	[dreg:$0x5] =	wrdreg s2;
	s21 =	sadd.s32 $0xC00, s20  }
0x10: {  	s7 =	simm.s32 $0x4280;
	s22 =	sadd.s32 $0x1800, s20;
	[dreg:$0x6] =	wrdreg s21  }
0x11: {  	s4 =	smax.u32 s0, $0x1;
	s23 =	sadd.s32 $0x2400, s20;
	[dreg:$0x7] =	wrdreg s22  }
0x12: {  	s19 =	simm.s32 $0x4;
	s25 =	sadd.s32 $0x3000, s20;
	[dreg:$0x8] =	wrdreg s23  }
0x13: {  	v2 =	vlaneseq.u32;
	s2 =	simm.s32 $0x6280;
	s26 =	sadd.s32 $0x3C00, s20;
	[dreg:$0x9] =	wrdreg s25  }
0x14: {  	vm0 =	vmmov $0xffff;
	v1 =	vshrl.u32 v2, $0x3;
	s20 =	simm.s32 $0x3;
	[dreg:$0xa] =	wrdreg s26;
	s21 =	simm.s32 $0x5  }
0x15: {  	v0 =	vand.u32 $0x7, v2;
	v2 =	vor.u32 $0x8, v2;
	v1 =	vmul.u32 $0x8, v1;
	s22 =	simm.s32 $0x6;
	s25 =	simm.s32 $0x1280;
	s26 =	simm.s32 $0x1A80  }
.LBB2_1:
0x16: {  	s23 =	rddreg [dreg:$0x4];
	s0 =	simm.s32 $0x7  }
0x17: {  	[tilespmem:s3], [sflag:$0x7] =	stream.linear.gather [hbm4b:s23+s3], $0x240, $0x38;
	[tilespmem:$0x12280] =	vst v63  }
0x18: {  	_ =	swait.ge [sflag:s0], $0x240  }
0x19: {  	[sflag:s0] =	ssyncset.done $0x0  }
0x1a: {  	[sflag:s0] =	ssyncadd.s32 $0xFFFFFDC0  }
0x1b: {  	v3 =	vld [tilespmem:$0x0];
	_ =	sdelay $0x4  }
0x1c: {  	v4 =	vshll.u32 v3, $0x1  }
0x1d: {  	v3 =	vand.u32 $0x7, v3;
	v4 =	vand.u32 $0xFFFFFFF0, v4  }
0x1e: {  	v3 =	vor.u32 v3, v4  }
0x1f: {  	v4 =	vperm.xlane v3, v0;
	_ =	sdelay $0x1  }
0x20: {  	v3 =	vperm.xlane v3, v2;
	v4 =	vadd.s32 v1, v4;
	_ =	sdelay $0x1  }
0x21: {  	v3 =	vadd.s32 v1, v3;
	_ =	sdelay $0x2  }
0x22: {  	[tilespmem:s18], [sflag:$0x1] =	stream.indirect_vreg.gather [hbm4b:s1+s3], $0x80, v4, vm0, $0xb8;
	[tilespmem:$0x12280] =	vst v63  }
0x23: {  	_ = 	snop  }
0x24: {  	[tilespmem:s24], [sflag:$0x1] =	stream.indirect_vreg.gather [hbm4b:s1+s3], $0x80, v3, vm0, $0xb8;
	[tilespmem:$0x12280] =	vst v63  }
0x25: {  	v3 =	vld [tilespmem:$0x10];
	_ =	sdelay $0x4  }
0x26: {  	v29 =	vshll.u32 v3, $0x1  }
0x27: {  	v3 =	vand.u32 $0x7, v3;
	v4 =	vand.u32 $0xFFFFFFF0, v29  }
0x28: {  	v3 =	vor.u32 v3, v4  }
0x29: {  	v4 =	vperm.xlane v3, v0;
	_ =	sdelay $0x1  }
0x2a: {  	v3 =	vperm.xlane v3, v2;
	v4 =	vadd.s32 v1, v4;
	_ =	sdelay $0x1  }
0x2b: {  	v3 =	vadd.s32 v1, v3;
	_ =	sdelay $0x2  }
0x2c: {  	[tilespmem:s25], [sflag:$0x1] =	stream.indirect_vreg.gather [hbm4b:s1+s3], $0x80, v4, vm0, $0xb8;
	[tilespmem:$0x12280] =	vst v63  }
0x2d: {  	_ = 	snop  }
0x2e: {  	[tilespmem:s26], [sflag:$0x1] =	stream.indirect_vreg.gather [hbm4b:s1+s3], $0x80, v3, vm0, $0xb8;
	[tilespmem:$0x12280] =	vst v63  }
0x2f: {  	v3 =	vld [tilespmem:$0x20];
	_ =	sdelay $0x4  }
0x30: {  	v30 =	vshll.u32 v3, $0x1  }
0x31: {  	v3 =	vand.u32 $0x7, v3;
	v4 =	vand.u32 $0xFFFFFFF0, v30  }
0x32: {  	v3 =	vor.u32 v3, v4  }
0x33: {  	v4 =	vperm.xlane v3, v0;
	_ =	sdelay $0x1  }
0x34: {  	v3 =	vperm.xlane v3, v2;
	v4 =	vadd.s32 v1, v4;
	_ =	sdelay $0x1  }
0x35: {  	v3 =	vadd.s32 v1, v3;
	_ =	sdelay $0x2  }
0x36: {  	[tilespmem:s28], [sflag:$0x1] =	stream.indirect_vreg.gather [hbm4b:s1+s3], $0x80, v4, vm0, $0xb8;
	[tilespmem:$0x12280] =	vst v63  }
0x37: {  	_ = 	snop  }
0x38: {  	[tilespmem:s29], [sflag:$0x1] =	stream.indirect_vreg.gather [hbm4b:s1+s3], $0x80, v3, vm0, $0xb8;
	[tilespmem:$0x12280] =	vst v63  }
0x39: {  	v3 =	vld [tilespmem:$0x30];
	_ =	sdelay $0x4  }
0x3a: {  	v31 =	vshll.u32 v3, $0x1  }
0x3b: {  	v3 =	vand.u32 $0x7, v3;
	v4 =	vand.u32 $0xFFFFFFF0, v31  }
0x3c: {  	v3 =	vor.u32 v3, v4  }
0x3d: {  	v4 =	vperm.xlane v3, v0;
	_ =	sdelay $0x1  }
0x3e: {  	v3 =	vperm.xlane v3, v2;
	v4 =	vadd.s32 v1, v4;
	_ =	sdelay $0x1  }
0x3f: {  	v3 =	vadd.s32 v1, v3;
	_ =	sdelay $0x2  }
0x40: {  	[tilespmem:s30], [sflag:$0x1] =	stream.indirect_vreg.gather [hbm4b:s1+s3], $0x80, v4, vm0, $0xb8;
	[tilespmem:$0x12280] =	vst v63  }
0x41: {  	s0 =	simm.s32 $0x3A80  }
0x42: {  	[tilespmem:s0], [sflag:$0x1] =	stream.indirect_vreg.gather [hbm4b:s1+s3], $0x80, v3, vm0, $0xb8;
	[tilespmem:$0x12280] =	vst v63  }
0x43: {  	v3 =	vld [tilespmem:$0x40];
	_ =	sdelay $0x4  }
0x44: {  	v32 =	vshll.u32 v3, $0x1  }
0x45: {  	v3 =	vand.u32 $0x7, v3;
	v4 =	vand.u32 $0xFFFFFFF0, v32  }
0x46: {  	v3 =	vor.u32 v3, v4  }
0x47: {  	v4 =	vperm.xlane v3, v0;
	_ =	sdelay $0x1  }
0x48: {  	v3 =	vperm.xlane v3, v2;
	v4 =	vadd.s32 v1, v4;
	_ =	sdelay $0x1  }
0x49: {  	v3 =	vadd.s32 v1, v3;
	_ =	sdelay $0x2  }
0x4a: {  	[tilespmem:s7], [sflag:$0x1] =	stream.indirect_vreg.gather [hbm4b:s1+s3], $0x80, v4, vm0, $0xb8;
	[tilespmem:$0x12280] =	vst v63  }
0x4b: {  	_ = 	snop  }
0x4c: {  	[tilespmem:s8], [sflag:$0x1] =	stream.indirect_vreg.gather [hbm4b:s1+s3], $0x80, v3, vm0, $0xb8;
	[tilespmem:$0x12280] =	vst v63  }
0x4d: {  	v3 =	vld [tilespmem:$0x50];
	_ =	sdelay $0x4  }
0x4e: {  	v33 =	vshll.u32 v3, $0x1  }
0x4f: {  	v3 =	vand.u32 $0x7, v3;
	v4 =	vand.u32 $0xFFFFFFF0, v33  }
0x50: {  	v3 =	vor.u32 v3, v4  }
0x51: {  	v4 =	vperm.xlane v3, v0;
	_ =	sdelay $0x1  }
0x52: {  	v3 =	vperm.xlane v3, v2;
	v4 =	vadd.s32 v1, v4;
	_ =	sdelay $0x1  }
0x53: {  	v3 =	vadd.s32 v1, v3;
	_ =	sdelay $0x2  }
0x54: {  	[tilespmem:s9], [sflag:$0x1] =	stream.indirect_vreg.gather [hbm4b:s1+s3], $0x80, v4, vm0, $0xb8;
	[tilespmem:$0x12280] =	vst v63  }
0x55: {  	_ = 	snop  }
0x56: {  	[tilespmem:s10], [sflag:$0x1] =	stream.indirect_vreg.gather [hbm4b:s1+s3], $0x80, v3, vm0, $0xb8;
	[tilespmem:$0x12280] =	vst v63  }
0x57: {  	v3 =	vld [tilespmem:$0x60];
	_ =	sdelay $0x4  }
0x58: {  	v34 =	vshll.u32 v3, $0x1  }
0x59: {  	v3 =	vand.u32 $0x7, v3;
	v4 =	vand.u32 $0xFFFFFFF0, v34  }
0x5a: {  	v3 =	vor.u32 v3, v4  }
0x5b: {  	v4 =	vperm.xlane v3, v0;
	_ =	sdelay $0x1  }
0x5c: {  	v3 =	vperm.xlane v3, v2;
	v4 =	vadd.s32 v1, v4;
	_ =	sdelay $0x1  }
0x5d: {  	v3 =	vadd.s32 v1, v3;
	_ =	sdelay $0x2  }
0x5e: {  	[tilespmem:s2], [sflag:$0x2] =	stream.indirect_vreg.gather [hbm4b:s1+s3], $0x80, v4, vm0, $0xb8;
	[tilespmem:$0x12280] =	vst v63  }
0x5f: {  	_ = 	snop  }
0x60: {  	[tilespmem:s11], [sflag:$0x2] =	stream.indirect_vreg.gather [hbm4b:s1+s3], $0x80, v3, vm0, $0xb8;
	[tilespmem:$0x12280] =	vst v63  }
0x61: {  	v3 =	vld [tilespmem:$0x70];
	_ =	sdelay $0x4  }
0x62: {  	v35 =	vshll.u32 v3, $0x1  }
0x63: {  	v3 =	vand.u32 $0x7, v3;
	v4 =	vand.u32 $0xFFFFFFF0, v35  }
0x64: {  	v3 =	vor.u32 v3, v4  }
0x65: {  	v4 =	vperm.xlane v3, v0;
	_ =	sdelay $0x1  }
0x66: {  	v3 =	vperm.xlane v3, v2;
	v4 =	vadd.s32 v1, v4;
	_ =	sdelay $0x1  }
0x67: {  	v3 =	vadd.s32 v1, v3;
	_ =	sdelay $0x2  }
0x68: {  	[tilespmem:s12], [sflag:$0x2] =	stream.indirect_vreg.gather [hbm4b:s1+s3], $0x80, v4, vm0, $0xb8;
	[tilespmem:$0x12280] =	vst v63  }
0x69: {  	_ = 	snop  }
0x6a: {  	[tilespmem:s13], [sflag:$0x2] =	stream.indirect_vreg.gather [hbm4b:s1+s3], $0x80, v3, vm0, $0xb8;
	[tilespmem:$0x12280] =	vst v63  }
0x6b: {  	v3 =	vld [tilespmem:$0x80];
	_ =	sdelay $0x4  }
0x6c: {  	v36 =	vshll.u32 v3, $0x1  }
0x6d: {  	v3 =	vand.u32 $0x7, v3;
	v4 =	vand.u32 $0xFFFFFFF0, v36  }
0x6e: {  	v3 =	vor.u32 v3, v4  }
0x6f: {  	v4 =	vperm.xlane v3, v0;
	_ =	sdelay $0x1  }
0x70: {  	v3 =	vperm.xlane v3, v2;
	v4 =	vadd.s32 v1, v4;
	_ =	sdelay $0x1  }
0x71: {  	v3 =	vadd.s32 v1, v3;
	_ =	sdelay $0x2  }
0x72: {  	[tilespmem:s14], [sflag:$0x2] =	stream.indirect_vreg.gather [hbm4b:s1+s3], $0x80, v4, vm0, $0xb8;
	[tilespmem:$0x12280] =	vst v63  }
0x73: {  	_ = 	snop  }
0x74: {  	[tilespmem:s15], [sflag:$0x2] =	stream.indirect_vreg.gather [hbm4b:s1+s3], $0x80, v3, vm0, $0xb8;
	[tilespmem:$0x12280] =	vst v63  }
0x75: {  	v3 =	vld [tilespmem:$0x90];
	_ =	sdelay $0x4  }
0x76: {  	v37 =	vshll.u32 v3, $0x1  }
0x77: {  	v3 =	vand.u32 $0x7, v3;
	v4 =	vand.u32 $0xFFFFFFF0, v37  }
0x78: {  	v3 =	vor.u32 v3, v4  }
0x79: {  	v4 =	vperm.xlane v3, v0;
	_ =	sdelay $0x1  }
0x7a: {  	v3 =	vperm.xlane v3, v2;
	v4 =	vadd.s32 v1, v4;
	_ =	sdelay $0x1  }
0x7b: {  	v3 =	vadd.s32 v1, v3;
	_ =	sdelay $0x2  }
0x7c: {  	[tilespmem:s16], [sflag:$0x2] =	stream.indirect_vreg.gather [hbm4b:s1+s3], $0x80, v4, vm0, $0xb8;
	[tilespmem:$0x12280] =	vst v63  }
0x7d: {  	s5 =	simm.s32 $0x9A80  }
0x7e: {  	[tilespmem:s5], [sflag:$0x2] =	stream.indirect_vreg.gather [hbm4b:s1+s3], $0x80, v3, vm0, $0xb8;
	[tilespmem:$0x12280] =	vst v63  }
0x7f: {  	v3 =	vld [tilespmem:$0xA0];
	_ =	sdelay $0x4  }
0x80: {  	v38 =	vshll.u32 v3, $0x1  }
0x81: {  	v3 =	vand.u32 $0x7, v3;
	v4 =	vand.u32 $0xFFFFFFF0, v38  }
0x82: {  	v3 =	vor.u32 v3, v4  }
0x83: {  	v4 =	vperm.xlane v3, v0;
	_ =	sdelay $0x1  }
0x84: {  	v3 =	vperm.xlane v3, v2;
	v4 =	vadd.s32 v1, v4;
	_ =	sdelay $0x1  }
0x85: {  	v3 =	vadd.s32 v1, v3;
	_ =	sdelay $0x1  }
0x86: {  	s23 =	simm.s32 $0xA280  }
0x87: {  	[tilespmem:s23], [sflag:$0x2] =	stream.indirect_vreg.gather [hbm4b:s1+s3], $0x80, v4, vm0, $0xb8;
	[tilespmem:$0x12280] =	vst v63  }
0x88: {  	_ = 	snop  }
0x89: {  	[tilespmem:s31], [sflag:$0x2] =	stream.indirect_vreg.gather [hbm4b:s1+s3], $0x80, v3, vm0, $0xb8;
	[tilespmem:$0x12280] =	vst v63  }
0x8a: {  	v3 =	vld [tilespmem:$0xB0];
	_ =	sdelay $0x4  }
0x8b: {  	v39 =	vshll.u32 v3, $0x1  }
0x8c: {  	v3 =	vand.u32 $0x7, v3;
	v4 =	vand.u32 $0xFFFFFFF0, v39  }
0x8d: {  	v3 =	vor.u32 v3, v4  }
0x8e: {  	v4 =	vperm.xlane v3, v0;
	_ =	sdelay $0x1  }
0x8f: {  	v3 =	vperm.xlane v3, v2;
	v4 =	vadd.s32 v1, v4;
	_ =	sdelay $0x1  }
0x90: {  	v3 =	vadd.s32 v1, v3;
	_ =	sdelay $0x1  }
0x91: {  	s23 =	simm.s32 $0xB280  }
0x92: {  	[tilespmem:s23], [sflag:$0x2] =	stream.indirect_vreg.gather [hbm4b:s1+s3], $0x80, v4, vm0, $0xb8;
	[tilespmem:$0x12280] =	vst v63  }
0x93: {  	s23 =	simm.s32 $0xBA80  }
0x94: {  	[tilespmem:s23], [sflag:$0x2] =	stream.indirect_vreg.gather [hbm4b:s1+s3], $0x80, v3, vm0, $0xb8;
	[tilespmem:$0x12280] =	vst v63  }
0x95: {  	_ =	swait.ge [sflag:s17], $0x6000  }
0x96: {  	[sflag:s17] =	ssyncset.done $0x0  }
0x97: {  	s5 =	rddreg [dreg:$0x5];
	[sflag:s17] =	ssyncadd.s32 $0xFFFFA000  }
0x98: {  	[hbm4b:s5+s3] =	stream.linear.scatter [tilespmem:s18], [sflag:$0x4], $0x6000, $0x38;
	[tilespmem:$0x12280] =	vst v63  }
0x99: {  	v3 =	vld [tilespmem:$0xC0];
	_ =	sdelay $0x4  }
0x9a: {  	v40 =	vshll.u32 v3, $0x1  }
0x9b: {  	v3 =	vand.u32 $0x7, v3;
	v4 =	vand.u32 $0xFFFFFFF0, v40  }
0x9c: {  	v3 =	vor.u32 v3, v4  }
0x9d: {  	v4 =	vperm.xlane v3, v0;
	_ =	sdelay $0x1  }
0x9e: {  	v3 =	vperm.xlane v3, v2;
	v4 =	vadd.s32 v1, v4;
	_ =	sdelay $0x1  }
0x9f: {  	v3 =	vadd.s32 v1, v3;
	_ =	sdelay $0x1  }
0xa0: {  	s5 =	simm.s32 $0xC280  }
0xa1: {  	[tilespmem:s5], [sflag:$0x3] =	stream.indirect_vreg.gather [hbm4b:s1+s3], $0x80, v4, vm0, $0xb8;
	[tilespmem:$0x12280] =	vst v63  }
0xa2: {  	s23 =	simm.s32 $0xCA80  }
0xa3: {  	[tilespmem:s23], [sflag:$0x3] =	stream.indirect_vreg.gather [hbm4b:s1+s3], $0x80, v3, vm0, $0xb8;
	[tilespmem:$0x12280] =	vst v63  }
0xa4: {  	v3 =	vld [tilespmem:$0xD0];
	_ =	sdelay $0x4  }
0xa5: {  	v41 =	vshll.u32 v3, $0x1  }
0xa6: {  	v3 =	vand.u32 $0x7, v3;
	v4 =	vand.u32 $0xFFFFFFF0, v41  }
0xa7: {  	v3 =	vor.u32 v3, v4  }
0xa8: {  	v4 =	vperm.xlane v3, v0;
	_ =	sdelay $0x1  }
0xa9: {  	v3 =	vperm.xlane v3, v2;
	v4 =	vadd.s32 v1, v4;
	_ =	sdelay $0x1  }
0xaa: {  	v3 =	vadd.s32 v1, v3;
	_ =	sdelay $0x1  }
0xab: {  	s23 =	simm.s32 $0xD280  }
0xac: {  	[tilespmem:s23], [sflag:$0x3] =	stream.indirect_vreg.gather [hbm4b:s1+s3], $0x80, v4, vm0, $0xb8;
	[tilespmem:$0x12280] =	vst v63  }
0xad: {  	s23 =	simm.s32 $0xDA80  }
0xae: {  	[tilespmem:s23], [sflag:$0x3] =	stream.indirect_vreg.gather [hbm4b:s1+s3], $0x80, v3, vm0, $0xb8;
	[tilespmem:$0x12280] =	vst v63  }
0xaf: {  	v3 =	vld [tilespmem:$0xE0];
	_ =	sdelay $0x4  }
0xb0: {  	v42 =	vshll.u32 v3, $0x1  }
0xb1: {  	v3 =	vand.u32 $0x7, v3;
	v4 =	vand.u32 $0xFFFFFFF0, v42  }
0xb2: {  	v3 =	vor.u32 v3, v4  }
0xb3: {  	v4 =	vperm.xlane v3, v0;
	_ =	sdelay $0x1  }
0xb4: {  	v3 =	vperm.xlane v3, v2;
	v4 =	vadd.s32 v1, v4;
	_ =	sdelay $0x1  }
0xb5: {  	v3 =	vadd.s32 v1, v3;
	_ =	sdelay $0x1  }
0xb6: {  	s23 =	simm.s32 $0xE280  }
0xb7: {  	[tilespmem:s23], [sflag:$0x3] =	stream.indirect_vreg.gather [hbm4b:s1+s3], $0x80, v4, vm0, $0xb8;
	[tilespmem:$0x12280] =	vst v63  }
0xb8: {  	s23 =	simm.s32 $0xEA80  }
0xb9: {  	[tilespmem:s23], [sflag:$0x3] =	stream.indirect_vreg.gather [hbm4b:s1+s3], $0x80, v3, vm0, $0xb8;
	[tilespmem:$0x12280] =	vst v63  }
0xba: {  	v3 =	vld [tilespmem:$0xF0];
	_ =	sdelay $0x4  }
0xbb: {  	v43 =	vshll.u32 v3, $0x1  }
0xbc: {  	v3 =	vand.u32 $0x7, v3;
	v4 =	vand.u32 $0xFFFFFFF0, v43  }
0xbd: {  	v3 =	vor.u32 v3, v4  }
0xbe: {  	v4 =	vperm.xlane v3, v0;
	_ =	sdelay $0x1  }
0xbf: {  	v3 =	vperm.xlane v3, v2;
	v4 =	vadd.s32 v1, v4;
	_ =	sdelay $0x1  }
0xc0: {  	v3 =	vadd.s32 v1, v3;
	_ =	sdelay $0x1  }
0xc1: {  	s23 =	simm.s32 $0xF280  }
0xc2: {  	[tilespmem:s23], [sflag:$0x3] =	stream.indirect_vreg.gather [hbm4b:s1+s3], $0x80, v4, vm0, $0xb8;
	[tilespmem:$0x12280] =	vst v63  }
0xc3: {  	s23 =	simm.s32 $0xFA80  }
0xc4: {  	[tilespmem:s23], [sflag:$0x3] =	stream.indirect_vreg.gather [hbm4b:s1+s3], $0x80, v3, vm0, $0xb8;
	[tilespmem:$0x12280] =	vst v63  }
0xc5: {  	v3 =	vld [tilespmem:$0x100];
	_ =	sdelay $0x4  }
0xc6: {  	v44 =	vshll.u32 v3, $0x1  }
0xc7: {  	v3 =	vand.u32 $0x7, v3;
	v4 =	vand.u32 $0xFFFFFFF0, v44  }
0xc8: {  	v3 =	vor.u32 v3, v4  }
0xc9: {  	v4 =	vperm.xlane v3, v0;
	_ =	sdelay $0x1  }
0xca: {  	v3 =	vperm.xlane v3, v2;
	v4 =	vadd.s32 v1, v4;
	_ =	sdelay $0x1  }
0xcb: {  	v3 =	vadd.s32 v1, v3;
	_ =	sdelay $0x1  }
0xcc: {  	s23 =	simm.s32 $0x10280  }
0xcd: {  	[tilespmem:s23], [sflag:$0x3] =	stream.indirect_vreg.gather [hbm4b:s1+s3], $0x80, v4, vm0, $0xb8;
	[tilespmem:$0x12280] =	vst v63  }
0xce: {  	s23 =	simm.s32 $0x10A80  }
0xcf: {  	[tilespmem:s23], [sflag:$0x3] =	stream.indirect_vreg.gather [hbm4b:s1+s3], $0x80, v3, vm0, $0xb8;
	[tilespmem:$0x12280] =	vst v63  }
0xd0: {  	v3 =	vld [tilespmem:$0x110];
	_ =	sdelay $0x4  }
0xd1: {  	v45 =	vshll.u32 v3, $0x1  }
0xd2: {  	v3 =	vand.u32 $0x7, v3;
	v4 =	vand.u32 $0xFFFFFFF0, v45  }
0xd3: {  	v3 =	vor.u32 v3, v4  }
0xd4: {  	v4 =	vperm.xlane v3, v0;
	_ =	sdelay $0x1  }
0xd5: {  	v3 =	vperm.xlane v3, v2;
	v4 =	vadd.s32 v1, v4;
	_ =	sdelay $0x1  }
0xd6: {  	v3 =	vadd.s32 v1, v3;
	_ =	sdelay $0x1  }
0xd7: {  	s23 =	simm.s32 $0x11280  }
0xd8: {  	[tilespmem:s23], [sflag:$0x3] =	stream.indirect_vreg.gather [hbm4b:s1+s3], $0x80, v4, vm0, $0xb8;
	[tilespmem:$0x12280] =	vst v63  }
0xd9: {  	s23 =	simm.s32 $0x11A80  }
0xda: {  	[tilespmem:s23], [sflag:$0x3] =	stream.indirect_vreg.gather [hbm4b:s1+s3], $0x80, v3, vm0, $0xb8;
	[tilespmem:$0x12280] =	vst v63  }
0xdb: {  	_ =	swait.ge [sflag:s6], $0x6000  }
0xdc: {  	[sflag:s6] =	ssyncset.done $0x0  }
0xdd: {  	s23 =	rddreg [dreg:$0x6];
	[sflag:s6] =	ssyncadd.s32 $0xFFFFA000  }
0xde: {  	[hbm4b:s23+s3] =	stream.linear.scatter [tilespmem:s2], [sflag:$0x5], $0x6000, $0x38;
	[tilespmem:$0x12280] =	vst v63  }
0xdf: {  	_ =	swait.ge [sflag:s19], $0x6000  }
0xe0: {  	[sflag:s19] =	ssyncset.done $0x0  }
0xe1: {  	[sflag:s19] =	ssyncadd.s32 $0xFFFFA000  }
0xe2: {  	v3 =	vld [tilespmem:$0x120];
	_ =	sdelay $0x4  }
0xe3: {  	v46 =	vshll.u32 v3, $0x1  }
0xe4: {  	v3 =	vand.u32 $0x7, v3;
	v4 =	vand.u32 $0xFFFFFFF0, v46  }
0xe5: {  	v3 =	vor.u32 v3, v4  }
0xe6: {  	v4 =	vperm.xlane v3, v0;
	_ =	sdelay $0x1  }
0xe7: {  	v3 =	vperm.xlane v3, v2;
	v4 =	vadd.s32 v1, v4;
	_ =	sdelay $0x1  }
0xe8: {  	v3 =	vadd.s32 v1, v3;
	_ =	sdelay $0x2  }
0xe9: {  	[tilespmem:s18], [sflag:$0x1] =	stream.indirect_vreg.gather [hbm4b:s1+s3], $0x80, v4, vm0, $0xb8;
	[tilespmem:$0x12280] =	vst v63  }
0xea: {  	_ = 	snop  }
0xeb: {  	[tilespmem:s24], [sflag:$0x1] =	stream.indirect_vreg.gather [hbm4b:s1+s3], $0x80, v3, vm0, $0xb8;
	[tilespmem:$0x12280] =	vst v63  }
0xec: {  	v3 =	vld [tilespmem:$0x130];
	_ =	sdelay $0x4  }
0xed: {  	v47 =	vshll.u32 v3, $0x1  }
0xee: {  	v3 =	vand.u32 $0x7, v3;
	v4 =	vand.u32 $0xFFFFFFF0, v47  }
0xef: {  	v3 =	vor.u32 v3, v4  }
0xf0: {  	v4 =	vperm.xlane v3, v0;
	_ =	sdelay $0x1  }
0xf1: {  	v3 =	vperm.xlane v3, v2;
	v4 =	vadd.s32 v1, v4;
	_ =	sdelay $0x1  }
0xf2: {  	v3 =	vadd.s32 v1, v3;
	_ =	sdelay $0x2  }
0xf3: {  	[tilespmem:s25], [sflag:$0x1] =	stream.indirect_vreg.gather [hbm4b:s1+s3], $0x80, v4, vm0, $0xb8;
	[tilespmem:$0x12280] =	vst v63  }
0xf4: {  	_ = 	snop  }
0xf5: {  	[tilespmem:s26], [sflag:$0x1] =	stream.indirect_vreg.gather [hbm4b:s1+s3], $0x80, v3, vm0, $0xb8;
	[tilespmem:$0x12280] =	vst v63  }
0xf6: {  	v3 =	vld [tilespmem:$0x140];
	_ =	sdelay $0x4  }
0xf7: {  	v48 =	vshll.u32 v3, $0x1  }
0xf8: {  	v3 =	vand.u32 $0x7, v3;
	v4 =	vand.u32 $0xFFFFFFF0, v48  }
0xf9: {  	v3 =	vor.u32 v3, v4  }
0xfa: {  	v4 =	vperm.xlane v3, v0;
	_ =	sdelay $0x1  }
0xfb: {  	v3 =	vperm.xlane v3, v2;
	v4 =	vadd.s32 v1, v4;
	_ =	sdelay $0x1  }
0xfc: {  	v3 =	vadd.s32 v1, v3;
	_ =	sdelay $0x2  }
0xfd: {  	[tilespmem:s28], [sflag:$0x1] =	stream.indirect_vreg.gather [hbm4b:s1+s3], $0x80, v4, vm0, $0xb8;
	[tilespmem:$0x12280] =	vst v63  }
0xfe: {  	_ = 	snop  }
0xff: {  	[tilespmem:s29], [sflag:$0x1] =	stream.indirect_vreg.gather [hbm4b:s1+s3], $0x80, v3, vm0, $0xb8;
	[tilespmem:$0x12280] =	vst v63  }
0x100: {  	v3 =	vld [tilespmem:$0x150];
	_ =	sdelay $0x4  }
0x101: {  	v49 =	vshll.u32 v3, $0x1  }
0x102: {  	v3 =	vand.u32 $0x7, v3;
	v4 =	vand.u32 $0xFFFFFFF0, v49  }
0x103: {  	v3 =	vor.u32 v3, v4  }
0x104: {  	v4 =	vperm.xlane v3, v0;
	_ =	sdelay $0x1  }
0x105: {  	v3 =	vperm.xlane v3, v2;
	v4 =	vadd.s32 v1, v4;
	_ =	sdelay $0x1  }
0x106: {  	v3 =	vadd.s32 v1, v3;
	_ =	sdelay $0x2  }
0x107: {  	[tilespmem:s30], [sflag:$0x1] =	stream.indirect_vreg.gather [hbm4b:s1+s3], $0x80, v4, vm0, $0xb8;
	[tilespmem:$0x12280] =	vst v63  }
0x108: {  	_ = 	snop  }
0x109: {  	[tilespmem:s0], [sflag:$0x1] =	stream.indirect_vreg.gather [hbm4b:s1+s3], $0x80, v3, vm0, $0xb8;
	[tilespmem:$0x12280] =	vst v63  }
0x10a: {  	v3 =	vld [tilespmem:$0x160];
	_ =	sdelay $0x4  }
0x10b: {  	v50 =	vshll.u32 v3, $0x1  }
0x10c: {  	v3 =	vand.u32 $0x7, v3;
	v4 =	vand.u32 $0xFFFFFFF0, v50  }
0x10d: {  	v3 =	vor.u32 v3, v4  }
0x10e: {  	v4 =	vperm.xlane v3, v0;
	_ =	sdelay $0x1  }
0x10f: {  	v3 =	vperm.xlane v3, v2;
	v4 =	vadd.s32 v1, v4;
	_ =	sdelay $0x1  }
0x110: {  	v3 =	vadd.s32 v1, v3;
	_ =	sdelay $0x2  }
0x111: {  	[tilespmem:s7], [sflag:$0x1] =	stream.indirect_vreg.gather [hbm4b:s1+s3], $0x80, v4, vm0, $0xb8;
	[tilespmem:$0x12280] =	vst v63  }
0x112: {  	_ = 	snop  }
0x113: {  	[tilespmem:s8], [sflag:$0x1] =	stream.indirect_vreg.gather [hbm4b:s1+s3], $0x80, v3, vm0, $0xb8;
	[tilespmem:$0x12280] =	vst v63  }
0x114: {  	v3 =	vld [tilespmem:$0x170];
	_ =	sdelay $0x4  }
0x115: {  	v51 =	vshll.u32 v3, $0x1  }
0x116: {  	v3 =	vand.u32 $0x7, v3;
	v4 =	vand.u32 $0xFFFFFFF0, v51  }
0x117: {  	v3 =	vor.u32 v3, v4  }
0x118: {  	v4 =	vperm.xlane v3, v0;
	_ =	sdelay $0x1  }
0x119: {  	v3 =	vperm.xlane v3, v2;
	v4 =	vadd.s32 v1, v4;
	_ =	sdelay $0x1  }
0x11a: {  	v3 =	vadd.s32 v1, v3;
	_ =	sdelay $0x2  }
0x11b: {  	[tilespmem:s9], [sflag:$0x1] =	stream.indirect_vreg.gather [hbm4b:s1+s3], $0x80, v4, vm0, $0xb8;
	[tilespmem:$0x12280] =	vst v63  }
0x11c: {  	_ = 	snop  }
0x11d: {  	[tilespmem:s10], [sflag:$0x1] =	stream.indirect_vreg.gather [hbm4b:s1+s3], $0x80, v3, vm0, $0xb8;
	[tilespmem:$0x12280] =	vst v63  }
0x11e: {  	_ =	swait.ge [sflag:s20], $0x6000  }
0x11f: {  	[sflag:s20] =	ssyncset.done $0x0  }
0x120: {  	s0 =	rddreg [dreg:$0x7];
	[sflag:s20] =	ssyncadd.s32 $0xFFFFA000  }
0x121: {  	[hbm4b:s0+s3] =	stream.linear.scatter [tilespmem:s5], [sflag:$0x6], $0x6000, $0x38;
	[tilespmem:$0x12280] =	vst v63  }
0x122: {  	_ =	swait.ge [sflag:s21], $0x6000  }
0x123: {  	[sflag:s21] =	ssyncset.done $0x0  }
0x124: {  	[sflag:s21] =	ssyncadd.s32 $0xFFFFA000  }
0x125: {  	v3 =	vld [tilespmem:$0x180];
	_ =	sdelay $0x4  }
0x126: {  	v52 =	vshll.u32 v3, $0x1  }
0x127: {  	v3 =	vand.u32 $0x7, v3;
	v4 =	vand.u32 $0xFFFFFFF0, v52  }
0x128: {  	v3 =	vor.u32 v3, v4  }
0x129: {  	v4 =	vperm.xlane v3, v0;
	_ =	sdelay $0x1  }
0x12a: {  	v3 =	vperm.xlane v3, v2;
	v4 =	vadd.s32 v1, v4;
	_ =	sdelay $0x1  }
0x12b: {  	v3 =	vadd.s32 v1, v3;
	_ =	sdelay $0x2  }
0x12c: {  	[tilespmem:s2], [sflag:$0x2] =	stream.indirect_vreg.gather [hbm4b:s1+s3], $0x80, v4, vm0, $0xb8;
	[tilespmem:$0x12280] =	vst v63  }
0x12d: {  	_ = 	snop  }
0x12e: {  	[tilespmem:s11], [sflag:$0x2] =	stream.indirect_vreg.gather [hbm4b:s1+s3], $0x80, v3, vm0, $0xb8;
	[tilespmem:$0x12280] =	vst v63  }
0x12f: {  	v3 =	vld [tilespmem:$0x190];
	_ =	sdelay $0x4  }
0x130: {  	v53 =	vshll.u32 v3, $0x1  }
0x131: {  	v3 =	vand.u32 $0x7, v3;
	v4 =	vand.u32 $0xFFFFFFF0, v53  }
0x132: {  	v3 =	vor.u32 v3, v4  }
0x133: {  	v4 =	vperm.xlane v3, v0;
	_ =	sdelay $0x1  }
0x134: {  	v3 =	vperm.xlane v3, v2;
	v4 =	vadd.s32 v1, v4;
	_ =	sdelay $0x1  }
0x135: {  	v3 =	vadd.s32 v1, v3;
	_ =	sdelay $0x2  }
0x136: {  	[tilespmem:s12], [sflag:$0x2] =	stream.indirect_vreg.gather [hbm4b:s1+s3], $0x80, v4, vm0, $0xb8;
	[tilespmem:$0x12280] =	vst v63  }
0x137: {  	_ = 	snop  }
0x138: {  	[tilespmem:s13], [sflag:$0x2] =	stream.indirect_vreg.gather [hbm4b:s1+s3], $0x80, v3, vm0, $0xb8;
	[tilespmem:$0x12280] =	vst v63  }
0x139: {  	v3 =	vld [tilespmem:$0x1A0];
	_ =	sdelay $0x4  }
0x13a: {  	v54 =	vshll.u32 v3, $0x1  }
0x13b: {  	v3 =	vand.u32 $0x7, v3;
	v4 =	vand.u32 $0xFFFFFFF0, v54  }
0x13c: {  	v3 =	vor.u32 v3, v4  }
0x13d: {  	v4 =	vperm.xlane v3, v0;
	_ =	sdelay $0x1  }
0x13e: {  	v3 =	vperm.xlane v3, v2;
	v4 =	vadd.s32 v1, v4;
	_ =	sdelay $0x1  }
0x13f: {  	v3 =	vadd.s32 v1, v3;
	_ =	sdelay $0x2  }
0x140: {  	[tilespmem:s14], [sflag:$0x2] =	stream.indirect_vreg.gather [hbm4b:s1+s3], $0x80, v4, vm0, $0xb8;
	[tilespmem:$0x12280] =	vst v63  }
0x141: {  	_ = 	snop  }
0x142: {  	[tilespmem:s15], [sflag:$0x2] =	stream.indirect_vreg.gather [hbm4b:s1+s3], $0x80, v3, vm0, $0xb8;
	[tilespmem:$0x12280] =	vst v63  }
0x143: {  	v3 =	vld [tilespmem:$0x1B0];
	_ =	sdelay $0x4  }
0x144: {  	v55 =	vshll.u32 v3, $0x1  }
0x145: {  	v3 =	vand.u32 $0x7, v3;
	v4 =	vand.u32 $0xFFFFFFF0, v55  }
0x146: {  	v3 =	vor.u32 v3, v4  }
0x147: {  	v4 =	vperm.xlane v3, v0;
	_ =	sdelay $0x1  }
0x148: {  	v3 =	vperm.xlane v3, v2;
	v4 =	vadd.s32 v1, v4;
	_ =	sdelay $0x1  }
0x149: {  	v3 =	vadd.s32 v1, v3;
	_ =	sdelay $0x2  }
0x14a: {  	[tilespmem:s16], [sflag:$0x2] =	stream.indirect_vreg.gather [hbm4b:s1+s3], $0x80, v4, vm0, $0xb8;
	[tilespmem:$0x12280] =	vst v63  }
0x14b: {  	s23 =	simm.s32 $0x9A80  }
0x14c: {  	[tilespmem:s23], [sflag:$0x2] =	stream.indirect_vreg.gather [hbm4b:s1+s3], $0x80, v3, vm0, $0xb8;
	[tilespmem:$0x12280] =	vst v63  }
0x14d: {  	v3 =	vld [tilespmem:$0x1C0];
	_ =	sdelay $0x4  }
0x14e: {  	v56 =	vshll.u32 v3, $0x1  }
0x14f: {  	v3 =	vand.u32 $0x7, v3;
	v4 =	vand.u32 $0xFFFFFFF0, v56  }
0x150: {  	v3 =	vor.u32 v3, v4  }
0x151: {  	v4 =	vperm.xlane v3, v0;
	_ =	sdelay $0x1  }
0x152: {  	v3 =	vperm.xlane v3, v2;
	v4 =	vadd.s32 v1, v4;
	_ =	sdelay $0x1  }
0x153: {  	v3 =	vadd.s32 v1, v3;
	_ =	sdelay $0x1  }
0x154: {  	s23 =	simm.s32 $0xA280  }
0x155: {  	[tilespmem:s23], [sflag:$0x2] =	stream.indirect_vreg.gather [hbm4b:s1+s3], $0x80, v4, vm0, $0xb8;
	[tilespmem:$0x12280] =	vst v63  }
0x156: {  	_ = 	snop  }
0x157: {  	[tilespmem:s31], [sflag:$0x2] =	stream.indirect_vreg.gather [hbm4b:s1+s3], $0x80, v3, vm0, $0xb8;
	[tilespmem:$0x12280] =	vst v63  }
0x158: {  	v3 =	vld [tilespmem:$0x1D0];
	_ =	sdelay $0x4  }
0x159: {  	v57 =	vshll.u32 v3, $0x1  }
0x15a: {  	v3 =	vand.u32 $0x7, v3;
	v4 =	vand.u32 $0xFFFFFFF0, v57  }
0x15b: {  	v3 =	vor.u32 v3, v4  }
0x15c: {  	v4 =	vperm.xlane v3, v0;
	_ =	sdelay $0x1  }
0x15d: {  	v3 =	vperm.xlane v3, v2;
	v4 =	vadd.s32 v1, v4;
	_ =	sdelay $0x1  }
0x15e: {  	v3 =	vadd.s32 v1, v3;
	_ =	sdelay $0x1  }
0x15f: {  	s23 =	simm.s32 $0xB280  }
0x160: {  	[tilespmem:s23], [sflag:$0x2] =	stream.indirect_vreg.gather [hbm4b:s1+s3], $0x80, v4, vm0, $0xb8;
	[tilespmem:$0x12280] =	vst v63  }
0x161: {  	s23 =	simm.s32 $0xBA80  }
0x162: {  	[tilespmem:s23], [sflag:$0x2] =	stream.indirect_vreg.gather [hbm4b:s1+s3], $0x80, v3, vm0, $0xb8;
	[tilespmem:$0x12280] =	vst v63  }
0x163: {  	_ =	swait.ge [sflag:s17], $0x6000  }
0x164: {  	[sflag:s17] =	ssyncset.done $0x0  }
0x165: {  	s0 =	rddreg [dreg:$0x8];
	[sflag:s17] =	ssyncadd.s32 $0xFFFFA000  }
0x166: {  	[hbm4b:s0+s3] =	stream.linear.scatter [tilespmem:s18], [sflag:$0x4], $0x6000, $0x38;
	[tilespmem:$0x12280] =	vst v63  }
0x167: {  	_ =	swait.ge [sflag:s22], $0x6000  }
0x168: {  	[sflag:s22] =	ssyncset.done $0x0  }
0x169: {  	[sflag:s22] =	ssyncadd.s32 $0xFFFFA000  }
0x16a: {  	v3 =	vld [tilespmem:$0x1E0];
	_ =	sdelay $0x4  }
0x16b: {  	v58 =	vshll.u32 v3, $0x1  }
0x16c: {  	v3 =	vand.u32 $0x7, v3;
	v4 =	vand.u32 $0xFFFFFFF0, v58  }
0x16d: {  	v3 =	vor.u32 v3, v4  }
0x16e: {  	v4 =	vperm.xlane v3, v0;
	_ =	sdelay $0x1  }
0x16f: {  	v3 =	vperm.xlane v3, v2;
	v4 =	vadd.s32 v1, v4;
	_ =	sdelay $0x1  }
0x170: {  	v3 =	vadd.s32 v1, v3;
	_ =	sdelay $0x2  }
0x171: {  	[tilespmem:s5], [sflag:$0x3] =	stream.indirect_vreg.gather [hbm4b:s1+s3], $0x80, v4, vm0, $0xb8;
	[tilespmem:$0x12280] =	vst v63  }
0x172: {  	s23 =	simm.s32 $0xCA80  }
0x173: {  	[tilespmem:s23], [sflag:$0x3] =	stream.indirect_vreg.gather [hbm4b:s1+s3], $0x80, v3, vm0, $0xb8;
	[tilespmem:$0x12280] =	vst v63  }
0x174: {  	v3 =	vld [tilespmem:$0x1F0];
	_ =	sdelay $0x4  }
0x175: {  	v59 =	vshll.u32 v3, $0x1  }
0x176: {  	v3 =	vand.u32 $0x7, v3;
	v4 =	vand.u32 $0xFFFFFFF0, v59  }
0x177: {  	v3 =	vor.u32 v3, v4  }
0x178: {  	v4 =	vperm.xlane v3, v0;
	_ =	sdelay $0x1  }
0x179: {  	v3 =	vperm.xlane v3, v2;
	v4 =	vadd.s32 v1, v4;
	_ =	sdelay $0x1  }
0x17a: {  	v3 =	vadd.s32 v1, v3;
	_ =	sdelay $0x1  }
0x17b: {  	s23 =	simm.s32 $0xD280  }
0x17c: {  	[tilespmem:s23], [sflag:$0x3] =	stream.indirect_vreg.gather [hbm4b:s1+s3], $0x80, v4, vm0, $0xb8;
	[tilespmem:$0x12280] =	vst v63  }
0x17d: {  	s23 =	simm.s32 $0xDA80  }
0x17e: {  	[tilespmem:s23], [sflag:$0x3] =	stream.indirect_vreg.gather [hbm4b:s1+s3], $0x80, v3, vm0, $0xb8;
	[tilespmem:$0x12280] =	vst v63  }
0x17f: {  	v3 =	vld [tilespmem:$0x200];
	_ =	sdelay $0x4  }
0x180: {  	v60 =	vshll.u32 v3, $0x1  }
0x181: {  	v3 =	vand.u32 $0x7, v3;
	v4 =	vand.u32 $0xFFFFFFF0, v60  }
0x182: {  	v3 =	vor.u32 v3, v4  }
0x183: {  	v4 =	vperm.xlane v3, v0;
	_ =	sdelay $0x1  }
0x184: {  	v3 =	vperm.xlane v3, v2;
	v4 =	vadd.s32 v1, v4;
	_ =	sdelay $0x1  }
0x185: {  	v3 =	vadd.s32 v1, v3;
	_ =	sdelay $0x1  }
0x186: {  	s23 =	simm.s32 $0xE280  }
0x187: {  	[tilespmem:s23], [sflag:$0x3] =	stream.indirect_vreg.gather [hbm4b:s1+s3], $0x80, v4, vm0, $0xb8;
	[tilespmem:$0x12280] =	vst v63  }
0x188: {  	s23 =	simm.s32 $0xEA80  }
0x189: {  	[tilespmem:s23], [sflag:$0x3] =	stream.indirect_vreg.gather [hbm4b:s1+s3], $0x80, v3, vm0, $0xb8;
	[tilespmem:$0x12280] =	vst v63  }
0x18a: {  	v3 =	vld [tilespmem:$0x210];
	_ =	sdelay $0x4  }
0x18b: {  	v61 =	vshll.u32 v3, $0x1  }
0x18c: {  	v3 =	vand.u32 $0x7, v3;
	v4 =	vand.u32 $0xFFFFFFF0, v61  }
0x18d: {  	v3 =	vor.u32 v3, v4  }
0x18e: {  	v4 =	vperm.xlane v3, v0;
	_ =	sdelay $0x1  }
0x18f: {  	v3 =	vperm.xlane v3, v2;
	v4 =	vadd.s32 v1, v4;
	_ =	sdelay $0x1  }
0x190: {  	v3 =	vadd.s32 v1, v3;
	_ =	sdelay $0x1  }
0x191: {  	s23 =	simm.s32 $0xF280  }
0x192: {  	[tilespmem:s23], [sflag:$0x3] =	stream.indirect_vreg.gather [hbm4b:s1+s3], $0x80, v4, vm0, $0xb8;
	[tilespmem:$0x12280] =	vst v63  }
0x193: {  	s23 =	simm.s32 $0xFA80  }
0x194: {  	[tilespmem:s23], [sflag:$0x3] =	stream.indirect_vreg.gather [hbm4b:s1+s3], $0x80, v3, vm0, $0xb8;
	[tilespmem:$0x12280] =	vst v63  }
0x195: {  	v3 =	vld [tilespmem:$0x220];
	_ =	sdelay $0x4  }
0x196: {  	v62 =	vshll.u32 v3, $0x1  }
0x197: {  	v3 =	vand.u32 $0x7, v3;
	v4 =	vand.u32 $0xFFFFFFF0, v62  }
0x198: {  	v3 =	vor.u32 v3, v4  }
0x199: {  	v4 =	vperm.xlane v3, v0;
	_ =	sdelay $0x1  }
0x19a: {  	v3 =	vperm.xlane v3, v2;
	v4 =	vadd.s32 v1, v4;
	_ =	sdelay $0x1  }
0x19b: {  	v3 =	vadd.s32 v1, v3;
	_ =	sdelay $0x1  }
0x19c: {  	s23 =	simm.s32 $0x10280  }
0x19d: {  	[tilespmem:s23], [sflag:$0x3] =	stream.indirect_vreg.gather [hbm4b:s1+s3], $0x80, v4, vm0, $0xb8;
	[tilespmem:$0x12280] =	vst v63  }
0x19e: {  	s23 =	simm.s32 $0x10A80  }
0x19f: {  	[tilespmem:s23], [sflag:$0x3] =	stream.indirect_vreg.gather [hbm4b:s1+s3], $0x80, v3, vm0, $0xb8;
	[tilespmem:$0x12280] =	vst v63  }
0x1a0: {  	v3 =	vld [tilespmem:$0x230];
	_ =	sdelay $0x4  }
0x1a1: {  	v63 =	vshll.u32 v3, $0x1  }
0x1a2: {  	v3 =	vand.u32 $0x7, v3;
	v4 =	vand.u32 $0xFFFFFFF0, v63  }
0x1a3: {  	v3 =	vor.u32 v3, v4  }
0x1a4: {  	v4 =	vperm.xlane v3, v0;
	_ =	sdelay $0x1  }
0x1a5: {  	v3 =	vperm.xlane v3, v2;
	v4 =	vadd.s32 v1, v4;
	_ =	sdelay $0x1  }
0x1a6: {  	v3 =	vadd.s32 v1, v3;
	_ =	sdelay $0x1  }
0x1a7: {  	s23 =	simm.s32 $0x11280  }
0x1a8: {  	[tilespmem:s23], [sflag:$0x3] =	stream.indirect_vreg.gather [hbm4b:s1+s3], $0x80, v4, vm0, $0xb8;
	[tilespmem:$0x12280] =	vst v63  }
0x1a9: {  	s23 =	simm.s32 $0x11A80  }
0x1aa: {  	[tilespmem:s23], [sflag:$0x3] =	stream.indirect_vreg.gather [hbm4b:s1+s3], $0x80, v3, vm0, $0xb8;
	[tilespmem:$0x12280] =	vst v63  }
0x1ab: {  	_ =	swait.ge [sflag:s6], $0x6000  }
0x1ac: {  	[sflag:s6] =	ssyncset.done $0x0  }
0x1ad: {  	s0 =	rddreg [dreg:$0x9];
	[sflag:s6] =	ssyncadd.s32 $0xFFFFA000  }
0x1ae: {  	[hbm4b:s0+s3] =	stream.linear.scatter [tilespmem:s2], [sflag:$0x5], $0x6000, $0x38;
	[tilespmem:$0x12280] =	vst v63  }
0x1af: {  	_ =	swait.ge [sflag:s20], $0x6000  }
0x1b0: {  	[sflag:s20] =	ssyncset.done $0x0  }
0x1b1: {  	s0 =	rddreg [dreg:$0xa];
	[sflag:s20] =	ssyncadd.s32 $0xFFFFA000  }
0x1b2: {  	[hbm4b:s0+s3] =	stream.linear.scatter [tilespmem:s5], [sflag:$0x6], $0x6000, $0x38;
	[tilespmem:$0x12280] =	vst v63  }
0x1b3: {  	_ =	swait.ge [sflag:s19], $0x6000  }
0x1b4: {  	[sflag:s19] =	ssyncset.done $0x0  }
0x1b5: {  	[sflag:s19] =	ssyncadd.s32 $0xFFFFA000  }
0x1b6: {  	p0 =	sne.s32 s4, $0x1;
	_ =	swait.ge [sflag:s21], $0x6000  }
.Ltmp0:
0x1b7: {  	[sflag:s21] =	ssyncset.done $0x0;
	(pc) =	sbr.rel @p0 .LBB2_1-.Ltmp0, $4  }
0x1b8: {  	[sflag:s21] =	ssyncadd.s32 $0xFFFFA000  }
0x1b9: {  	_ =	swait.ge [sflag:s22], $0x6000  }
0x1ba: {  	[sflag:s22] =	ssyncset.done $0x0  }
0x1bb: {  	s4 =	sadd.s32 $0xFFFFFFFF, s4;
	[sflag:s22] =	ssyncadd.s32 $0xFFFFA000  }
0x1bc: {  	_ =	sfence.sel $0x180000  }
0x1bd: {  	[bflag:$0x0] =	sbarrier.arrive $0xFFFF  }
0x1be: {  	_ =	strace $0x90000047  }
0x1bf: {  	s0 =	stileid.u32;
	[bflag:$0x2] =	sbarrier.arrive $0xFFFF  }
0x1c0: {  	p0 =	sne.s32 s0, $0x0;
	s0 =	rddreg [dreg:$0x3]  }
0x1c1: {  	s0 =	sadd.s32 @!p0 $0x100000, s0  }
0x1c2: {  	[sflag:s0] =	ssyncadd.tile.s32 @!p0 $0x1;
	_ =	shalt  }
.Lfunc_end2:
_tile_overlayer_lowered:
.L_overlay_start_2:
0x1c3: {  	(tag) =	ssettag $0x2  }
0x1c4: {  	s0 =	rddreg [dreg:$0x0];
	s2 =	stileid.u32  }
0x1c5: {  	s1 =	rddreg [dreg:$0x1];
	p0 =	sne.s32 s2, $0x0  }
0x1c6: {  	s3 =	rddreg [dreg:$0x2];
	[bflag:$0x3] =	sbarrier.arrive $0xFFFF;
	s2 =	simm.s32 @!p0 $0x1C07  }
0x1c7: {  	[timem:s3], [sflag:s2] =	dma.local @!p0 [hbm:s0], s1  }
0x1c8: {  	s0 =	simm.s32 @!p0 $0x7  }
0x1c9: {  	_ =	swait.ge @!p0 [sflag:s0], s1  }
0x1ca: {  	s1 =	ssub.s32 @!p0 $0x0, s1;
	[sflag:s0] =	ssyncset.done @!p0 $0x0  }
0x1cb: {  	[sflag:s0] =	ssyncadd.s32 @!p0 s1  }
0x1cc: {  	[bflag:$0x3] =	sbarrier.arrive $0xFFFF  }
0x1cd: {  	_ =	shalt  }

</sc_bundles>
